<compile_context>
chip_gen: v7x
topology: tpu7x:2x2x1
jax: 0.10.2.dev20260603
libtpu: 0.0.44.dev20260713+nightly
codegen_flags: <defaults>
</compile_context>

<pallas_src>
import functools

import jax
jax.config.update("jax_enable_x64", True)
import jax.numpy as jnp
from jax import lax
from jax.experimental import pallas as pl
from jax.experimental.pallas import tpu as pltpu
from jax.experimental.pallas import tpu_sc as plsc

N = 10000
WD = 32
NC, NS = 2, 16
NW = NC * NS
CH = 128
NB = 8
R = 10240
ROWS_PT = R // NS
EPS = 1e-3


def _sc_scatter_add(y, src3, dst3, zeros):
    n_chunks = src3.shape[1]
    mesh = plsc.VectorSubcoreMesh(
        core_axis_name="c", subcore_axis_name="s", num_cores=NC, num_subcores=NS
    )

    @functools.partial(
        pl.kernel,
        out_type=jax.ShapeDtypeStruct((NC, R, WD), jnp.float32),
        mesh=mesh,
        compiler_params=pltpu.CompilerParams(use_tc_tiling_on_sc=False),
        scratch_types=[
            pltpu.VMEM((n_chunks, CH), jnp.int32),
            pltpu.VMEM((n_chunks, CH), jnp.int32),
            pltpu.VMEM((NB, CH, WD), jnp.float32),
            pltpu.VMEM_SHARED((R, WD), jnp.float32),
            pltpu.SemaphoreType.DMA,
            pltpu.SemaphoreType.DMA,
        ],
    )
    def k(y_hbm, src_hbm, dst_hbm, zero_hbm, out_hbm, src_v, dst_v, gbuf, acc, gsem, ssem):
        c = lax.axis_index("c")
        s = lax.axis_index("s")
        wid = s * NC + c
        pltpu.sync_copy(src_hbm.at[wid], src_v)
        pltpu.sync_copy(dst_hbm.at[wid], dst_v)
        pltpu.sync_copy(zero_hbm, acc.at[pl.ds(s * ROWS_PT, ROWS_PT)])
        plsc.subcore_barrier()

        def group(jj, base):
            gds = [
                pltpu.async_copy(y_hbm.at[src_v.at[base + jnp.int32(b)]],
                                 gbuf.at[jnp.int32(b)], gsem)
                for b in range(NB)
            ]
            sds = []
            for b in range(NB):
                gds[b].wait()
                sds.append(
                    pltpu.async_copy(gbuf.at[jnp.int32(b)],
                                     acc.at[dst_v.at[base + jnp.int32(b)]],
                                     ssem, add=True)
                )
            for d in sds:
                d.wait()
            return base + jnp.int32(NB)

        lax.fori_loop(0, n_chunks // NB, group, jnp.int32(0))
        plsc.subcore_barrier()
        pltpu.sync_copy(
            acc.at[pl.ds(s * ROWS_PT, ROWS_PT)],
            out_hbm.at[c, pl.ds(s * ROWS_PT, ROWS_PT)],
        )

    return k(y, src3, dst3, zeros)


def _tc_pre(x, wn, ws):
    def body(x_ref, wn_ref, ws_ref, y_ref, s_ref):
        xx = x_ref[...]
        y_ref[...] = jnp.dot(xx, wn_ref[...], preferred_element_type=jnp.float32)
        s_ref[...] = jnp.dot(xx, ws_ref[...], preferred_element_type=jnp.float32)

    return pl.pallas_call(
        body,
        out_shape=(
            jax.ShapeDtypeStruct((N, WD), jnp.float32),
            jax.ShapeDtypeStruct((N, WD), jnp.float32),
        ),
    )(x, wn, ws)


def _bn_relu(h, g, b):
    mean = jnp.mean(h, axis=0, keepdims=True)
    var = jnp.mean((h - mean) ** 2, axis=0, keepdims=True)
    return jnp.maximum((h - mean) / jnp.sqrt(var + EPS) * g + b, 0.0)


def _tc_mid(s0, agg, g, b, wn, ws):
    def body(s_ref, a_ref, g_ref, b_ref, wn_ref, ws_ref, y_ref, so_ref):
        h = s_ref[...] + a_ref[0, :N, :] + a_ref[1, :N, :]
        h = _bn_relu(h, g_ref[...], b_ref[...])
        y_ref[...] = jnp.dot(h, wn_ref[...], preferred_element_type=jnp.float32)
        so_ref[...] = jnp.dot(h, ws_ref[...], preferred_element_type=jnp.float32)

    return pl.pallas_call(
        body,
        out_shape=(
            jax.ShapeDtypeStruct((N, WD), jnp.float32),
            jax.ShapeDtypeStruct((N, WD), jnp.float32),
        ),
    )(s0, agg, g, b, wn, ws)


def _tc_post(s1, agg, g, b, wsem, bsem):
    def body(s_ref, a_ref, g_ref, b_ref, wsem_ref, bsem_ref, o_ref):
        h = s_ref[...] + a_ref[0, :N, :] + a_ref[1, :N, :]
        h = _bn_relu(h, g_ref[...], b_ref[...])
        z = jnp.dot(h, wsem_ref[...], preferred_element_type=jnp.float32)
        o_ref[...] = jax.nn.sigmoid(z + bsem_ref[...])

    return pl.pallas_call(
        body,
        out_shape=jax.ShapeDtypeStruct((N, 1), jnp.float32),
    )(s1, agg, g, b, wsem, bsem)


def kernel(x, edge_index, W_self0, W_neigh0, gamma0, beta0,
           W_self1, W_neigh1, gamma1, beta1, W_sem, b_sem):
    x = x.astype(jnp.float32)
    src = edge_index[0].astype(jnp.int32)
    dst = edge_index[1].astype(jnp.int32)
    E = src.shape[0]
    per = NW * CH
    n_chunks = -(-E // per)
    n_chunks = -(-n_chunks // NB) * NB
    epad = n_chunks * per - E
    pad_src = jnp.arange(epad, dtype=jnp.int32) * 37 % N
    pad_dst = N + (jnp.arange(epad, dtype=jnp.int32) % (R - N))
    src3 = jnp.concatenate([src, pad_src]).reshape(NW, n_chunks, CH)
    dst3 = jnp.concatenate([dst, pad_dst]).reshape(NW, n_chunks, CH)
    zeros = jnp.zeros((ROWS_PT, WD), jnp.float32)

    g0 = gamma0.reshape(1, WD).astype(jnp.float32)
    b0 = beta0.reshape(1, WD).astype(jnp.float32)
    g1 = gamma1.reshape(1, WD).astype(jnp.float32)
    b1 = beta1.reshape(1, WD).astype(jnp.float32)
    bs = b_sem.reshape(1, 1).astype(jnp.float32)

    y0, s0 = _tc_pre(x, W_neigh0.astype(jnp.float32), W_self0.astype(jnp.float32))
    agg0 = _sc_scatter_add(y0, src3, dst3, zeros)
    y1, s1 = _tc_mid(s0, agg0, g0, b0,
                     W_neigh1.astype(jnp.float32), W_self1.astype(jnp.float32))
    agg1 = _sc_scatter_add(y1, src3, dst3, zeros)
    out = _tc_post(s1, agg1, g1, b1, W_sem.astype(jnp.float32), bs)
    return out.astype(jnp.float64)

# --- scband reference (transcript-rebuilt; emitter-appended) ---
"""Pipeline reference for scband-evspsegnet-80530636800363 (READ-ONLY COPY).

The authoritative reference and input builder live on the scoring server;
editing this copy changes nothing except your own understanding.
"""

import jax
jax.config.update('jax_enable_x64', True)
import jax.numpy as jnp
import numpy as np

N = 10000
E = 320000
C_IN = 128
W = 32


def setup_inputs(seed: int = 0) -> dict:
    key = jax.random.key(seed)
    ks = jax.random.split(key, 12)
    x = jax.random.normal(ks[0], (N, C_IN), dtype=jnp.float32)
    edge_index = jax.random.randint(ks[1], (2, E), 0, N, dtype=jnp.int64)
    s0 = 1.0 / np.sqrt(C_IN)
    s1 = 1.0 / np.sqrt(W)
    W_self0 = jax.random.normal(ks[2], (C_IN, W), dtype=jnp.float32) * s0
    W_neigh0 = jax.random.normal(ks[3], (C_IN, W), dtype=jnp.float32) * s0
    gamma0 = jnp.ones((W,), dtype=jnp.float32)
    beta0 = jnp.zeros((W,), dtype=jnp.float32)
    W_self1 = jax.random.normal(ks[4], (W, W), dtype=jnp.float32) * s1
    W_neigh1 = jax.random.normal(ks[5], (W, W), dtype=jnp.float32) * s1
    gamma1 = jnp.ones((W,), dtype=jnp.float32)
    beta1 = jnp.zeros((W,), dtype=jnp.float32)
    W_sem = jax.random.normal(ks[6], (W, 1), dtype=jnp.float32) * s1
    b_sem = jnp.zeros((1,), dtype=jnp.float32)
    return {
        'x': x, 'edge_index': edge_index,
        'W_self0': W_self0, 'W_neigh0': W_neigh0, 'gamma0': gamma0, 'beta0': beta0,
        'W_self1': W_self1, 'W_neigh1': W_neigh1, 'gamma1': gamma1, 'beta1': beta1,
        'W_sem': W_sem, 'b_sem': b_sem,
    }


def _subm_conv(h, src, dst, W_self, W_neigh):
    # submanifold sparse conv on active voxels modeled as message passing:
    # gather neighbor features along kernel-offset edges, transform, scatter-add to center
    msg = jnp.take(h, src, axis=0) @ W_neigh
    agg = jax.ops.segment_sum(msg, dst, num_segments=N)
    return h @ W_self + agg


def _bn(h, gamma, beta, eps=1e-3):
    mean = jnp.mean(h, axis=0)
    var = jnp.var(h, axis=0)
    return (h - mean) / jnp.sqrt(var + eps) * gamma + beta


def reference(x, edge_index, W_self0, W_neigh0, gamma0, beta0, W_self1, W_neigh1, gamma1, beta1, W_sem, b_sem):
    src = edge_index[0]
    dst = edge_index[1]
    # conv_input: SubMConv3d -> BN -> ReLU
    h = _subm_conv(x, src, dst, W_self0, W_neigh0)
    h = jax.nn.relu(_bn(h, gamma0, beta0))
    # conv1 (GD block): SubMConv3d -> BN -> ReLU
    h = _subm_conv(h, src, dst, W_self1, W_neigh1)
    h = jax.nn.relu(_bn(h, gamma1, beta1))
    # semantic head: Linear -> Sigmoid
    out = jax.nn.sigmoid(h @ W_sem + b_sem)
    return out

if __name__ == "__main__":
    import jax
    _d = setup_inputs()
    print(jax.jit(kernel)(*tuple(_d.values())))

</pallas_src>

<mosaic_0001>
#map = affine_map<(d0, d1) -> (0, 0)>
#map1 = affine_map<(d0, d1) -> (0, 0, 0)>
module attributes {stable_mosaic.version = 14 : i64} {
  func.func @k(%arg0: i32, %arg1: i32, %arg2: memref<10000x32xf32, #tpu.memory_space<hbm>>, %arg3: memref<32x80x128xi32, #tpu.memory_space<hbm>>, %arg4: memref<32x80x128xi32, #tpu.memory_space<hbm>>, %arg5: memref<640x32xf32, #tpu.memory_space<hbm>>, %arg6: memref<2x10240x32xf32, #tpu.memory_space<hbm>>, %arg7: memref<80x128xi32, #tpu.memory_space<vmem>>, %arg8: memref<80x128xi32, #tpu.memory_space<vmem>>, %arg9: memref<8x128x32xf32, #tpu.memory_space<vmem>>, %arg10: memref<10240x32xf32, #tpu.memory_space<vmem_shared>>, %arg11: memref<!tpu.dma_semaphore, #tpu.memory_space<semaphore_mem>>, %arg12: memref<!tpu.dma_semaphore, #tpu.memory_space<semaphore_mem>>) attributes {dimension_semantics = [#tpu.dimension_semantics<core_parallel>, #tpu.dimension_semantics<subcore_parallel>], iteration_bounds = array<i64: 2, 16>, scalar_prefetch = 0 : i64, scratch_operands = 6 : i64, tpu.core_type = #tpu.core_type<sc_vector_subcore>, window_params = [{transform_indices = #map}, {transform_indices = #map1}, {transform_indices = #map1}, {transform_indices = #map}, {transform_indices = #map1}]} {
    %mul3A = arith.constant 2 : i32
    %mul3A_0 = arith.muli %arg1, %mul3A : i32
    %add3A = arith.addi %mul3A_0, %arg0 : i32
    "tpu.region"() ({
      %run_scoped3A = tpu.sem_alloc : memref<!tpu.dma_semaphore, #tpu.memory_space<semaphore_mem>>
      %dma_start3A = arith.constant 0 : i32
      %dma_start3A_14 = arith.constant 0 : i32
      %dma_start3A_15 = tpu.memref_slice %arg3[%add3A, %dma_start3A, %dma_start3A_14] : memref<32x80x128xi32, #tpu.memory_space<hbm>> -> memref<1x80x128xi32, #tpu.memory_space<hbm>>
      %dma_start3A_16 = tpu.memref_squeeze %dma_start3A_15 : memref<1x80x128xi32, #tpu.memory_space<hbm>> -> memref<80x128xi32, #tpu.memory_space<hbm>>
      %dma_start3A_17 = arith.constant 0 : i32
      %dma_start3A_18 = arith.constant 0 : i32
      %dma_start3A_19 = tpu.memref_slice %arg3[%add3A, %dma_start3A_17, %dma_start3A_18] : memref<32x80x128xi32, #tpu.memory_space<hbm>> -> memref<1x80x128xi32, #tpu.memory_space<hbm>>
      %dma_start3A_20 = tpu.memref_squeeze %dma_start3A_19 : memref<1x80x128xi32, #tpu.memory_space<hbm>> -> memref<80x128xi32, #tpu.memory_space<hbm>>
      tpu.enqueue_dma source(%dma_start3A_20 : memref<80x128xi32, #tpu.memory_space<hbm>>) target(%arg7 : memref<80x128xi32, #tpu.memory_space<vmem>>) target_semaphore(%run_scoped3A : memref<!tpu.dma_semaphore, #tpu.memory_space<semaphore_mem>>)
      %dma_wait3A = arith.constant 0 : i32
      %dma_wait3A_21 = arith.constant 0 : i32
      %dma_wait3A_22 = tpu.memref_slice %arg3[%add3A, %dma_wait3A, %dma_wait3A_21] : memref<32x80x128xi32, #tpu.memory_space<hbm>> -> memref<1x80x128xi32, #tpu.memory_space<hbm>>
      %dma_wait3A_23 = tpu.memref_squeeze %dma_wait3A_22 : memref<1x80x128xi32, #tpu.memory_space<hbm>> -> memref<80x128xi32, #tpu.memory_space<hbm>>
      %dma_wait3A_24 = arith.constant 0 : i32
      %dma_wait3A_25 = arith.constant 0 : i32
      %dma_wait3A_26 = tpu.memref_slice %arg3[%add3A, %dma_wait3A_24, %dma_wait3A_25] : memref<32x80x128xi32, #tpu.memory_space<hbm>> -> memref<1x80x128xi32, #tpu.memory_space<hbm>>
      %dma_wait3A_27 = tpu.memref_squeeze %dma_wait3A_26 : memref<1x80x128xi32, #tpu.memory_space<hbm>> -> memref<80x128xi32, #tpu.memory_space<hbm>>
      tpu.wait_dma2 semaphore(%run_scoped3A : memref<!tpu.dma_semaphore, #tpu.memory_space<semaphore_mem>>) src(%dma_wait3A_27 : memref<80x128xi32, #tpu.memory_space<hbm>>) dst(%arg7 : memref<80x128xi32, #tpu.memory_space<vmem>>)
      tpu.yield
    }) : () -> ()
    "tpu.region"() ({
      %run_scoped3A = tpu.sem_alloc : memref<!tpu.dma_semaphore, #tpu.memory_space<semaphore_mem>>
      %dma_start3A = arith.constant 0 : i32
      %dma_start3A_14 = arith.constant 0 : i32
      %dma_start3A_15 = tpu.memref_slice %arg4[%add3A, %dma_start3A, %dma_start3A_14] : memref<32x80x128xi32, #tpu.memory_space<hbm>> -> memref<1x80x128xi32, #tpu.memory_space<hbm>>
      %dma_start3A_16 = tpu.memref_squeeze %dma_start3A_15 : memref<1x80x128xi32, #tpu.memory_space<hbm>> -> memref<80x128xi32, #tpu.memory_space<hbm>>
      %dma_start3A_17 = arith.constant 0 : i32
      %dma_start3A_18 = arith.constant 0 : i32
      %dma_start3A_19 = tpu.memref_slice %arg4[%add3A, %dma_start3A_17, %dma_start3A_18] : memref<32x80x128xi32, #tpu.memory_space<hbm>> -> memref<1x80x128xi32, #tpu.memory_space<hbm>>
      %dma_start3A_20 = tpu.memref_squeeze %dma_start3A_19 : memref<1x80x128xi32, #tpu.memory_space<hbm>> -> memref<80x128xi32, #tpu.memory_space<hbm>>
      tpu.enqueue_dma source(%dma_start3A_20 : memref<80x128xi32, #tpu.memory_space<hbm>>) target(%arg8 : memref<80x128xi32, #tpu.memory_space<vmem>>) target_semaphore(%run_scoped3A : memref<!tpu.dma_semaphore, #tpu.memory_space<semaphore_mem>>)
      %dma_wait3A = arith.constant 0 : i32
      %dma_wait3A_21 = arith.constant 0 : i32
      %dma_wait3A_22 = tpu.memref_slice %arg4[%add3A, %dma_wait3A, %dma_wait3A_21] : memref<32x80x128xi32, #tpu.memory_space<hbm>> -> memref<1x80x128xi32, #tpu.memory_space<hbm>>
      %dma_wait3A_23 = tpu.memref_squeeze %dma_wait3A_22 : memref<1x80x128xi32, #tpu.memory_space<hbm>> -> memref<80x128xi32, #tpu.memory_space<hbm>>
      %dma_wait3A_24 = arith.constant 0 : i32
      %dma_wait3A_25 = arith.constant 0 : i32
      %dma_wait3A_26 = tpu.memref_slice %arg4[%add3A, %dma_wait3A_24, %dma_wait3A_25] : memref<32x80x128xi32, #tpu.memory_space<hbm>> -> memref<1x80x128xi32, #tpu.memory_space<hbm>>
      %dma_wait3A_27 = tpu.memref_squeeze %dma_wait3A_26 : memref<1x80x128xi32, #tpu.memory_space<hbm>> -> memref<80x128xi32, #tpu.memory_space<hbm>>
      tpu.wait_dma2 semaphore(%run_scoped3A : memref<!tpu.dma_semaphore, #tpu.memory_space<semaphore_mem>>) src(%dma_wait3A_27 : memref<80x128xi32, #tpu.memory_space<hbm>>) dst(%arg8 : memref<80x128xi32, #tpu.memory_space<vmem>>)
      tpu.yield
    }) : () -> ()
    %mul3A_1 = arith.constant 640 : i32
    %mul3A_2 = arith.muli %arg1, %mul3A_1 : i32
    "tpu.region"() ({
      %run_scoped3A = tpu.sem_alloc : memref<!tpu.dma_semaphore, #tpu.memory_space<semaphore_mem>>
      %dma_start3A = arith.constant 0 : i32
      %dma_start3A_14 = tpu.memref_slice %arg10[%mul3A_2, %dma_start3A] : memref<10240x32xf32, #tpu.memory_space<vmem_shared>> -> memref<640x32xf32, #tpu.memory_space<vmem_shared>>
      tpu.enqueue_dma source(%arg5 : memref<640x32xf32, #tpu.memory_space<hbm>>) target(%dma_start3A_14 : memref<640x32xf32, #tpu.memory_space<vmem_shared>>) target_semaphore(%run_scoped3A : memref<!tpu.dma_semaphore, #tpu.memory_space<semaphore_mem>>)
      %dma_wait3A = arith.constant 0 : i32
      %dma_wait3A_15 = tpu.memref_slice %arg10[%mul3A_2, %dma_wait3A] : memref<10240x32xf32, #tpu.memory_space<vmem_shared>> -> memref<640x32xf32, #tpu.memory_space<vmem_shared>>
      tpu.wait_dma2 semaphore(%run_scoped3A : memref<!tpu.dma_semaphore, #tpu.memory_space<semaphore_mem>>) src(%arg5 : memref<640x32xf32, #tpu.memory_space<hbm>>) dst(%dma_wait3A_15 : memref<640x32xf32, #tpu.memory_space<vmem_shared>>)
      tpu.yield
    }) : () -> ()
    %barrier3A = arith.constant 0 : index
    tpu.barrier barrier_id(%barrier3A)
    %scan3A = arith.constant 0 : i32
    %scan3A_3 = arith.constant 0 : i32
    %scan3A_4 = arith.constant 10 : i32
    %scan3A_5 = arith.addi %scan3A_3, %scan3A_4 : i32
    %scan3A_6 = arith.constant 1 : i32
    %scan3A_7 = scf.for %scan3A_14 = %scan3A_3 to %scan3A_5 step %scan3A_6 iter_args(%scan3A_15 = %scan3A) -> (i32)  : i32 {
      %add3A_16 = arith.constant 0 : i32
      %add3A_17 = arith.addi %scan3A_15, %add3A_16 : i32
      %dma_start3A = arith.constant 0 : i32
      %dma_start3A_18 = arith.constant 0 : i32
      %dma_start3A_19 = arith.constant 0 : i32
      %dma_start3A_20 = tpu.memref_slice %arg9[%dma_start3A, %dma_start3A_18, %dma_start3A_19] : memref<8x128x32xf32, #tpu.memory_space<vmem>> -> memref<1x128x32xf32, #tpu.memory_space<vmem>>
      %dma_start3A_21 = tpu.memref_squeeze %dma_start3A_20 : memref<1x128x32xf32, #tpu.memory_space<vmem>> -> memref<128x32xf32, #tpu.memory_space<vmem>>
      %dma_start3A_22 = arith.constant 0 : i32
      %dma_start3A_23 = tpu.memref_slice %arg7[%add3A_17, %dma_start3A_22] : memref<80x128xi32, #tpu.memory_space<vmem>> -> memref<1x128xi32, #tpu.memory_space<vmem>>
      %dma_start3A_24 = tpu.memref_squeeze %dma_start3A_23 : memref<1x128xi32, #tpu.memory_space<vmem>> -> memref<128xi32, #tpu.memory_space<vmem>>
      %dma_start3A_25 = arith.constant 0 : i32
      %dma_start3A_26 = arith.constant 0 : i32
      %dma_start3A_27 = tpu.memref_slice %arg2[%dma_start3A_25, %dma_start3A_26] : memref<10000x32xf32, #tpu.memory_space<hbm>> -> memref<10000x32xf32, #tpu.memory_space<hbm>>
      tpu.enqueue_indirect_dma source(%dma_start3A_27 : memref<10000x32xf32, #tpu.memory_space<hbm>>) target(%dma_start3A_21 : memref<128x32xf32, #tpu.memory_space<vmem>>) offsets(%dma_start3A_24 : memref<128xi32, #tpu.memory_space<vmem>>) semaphore(%arg11 : memref<!tpu.dma_semaphore, #tpu.memory_space<semaphore_mem>>)
      %add3A_28 = arith.constant 1 : i32
      %add3A_29 = arith.addi %scan3A_15, %add3A_28 : i32
      %dma_start3A_30 = arith.constant 1 : i32
      %dma_start3A_31 = arith.constant 0 : i32
      %dma_start3A_32 = arith.constant 0 : i32
      %dma_start3A_33 = tpu.memref_slice %arg9[%dma_start3A_30, %dma_start3A_31, %dma_start3A_32] : memref<8x128x32xf32, #tpu.memory_space<vmem>> -> memref<1x128x32xf32, #tpu.memory_space<vmem>>
      %dma_start3A_34 = tpu.memref_squeeze %dma_start3A_33 : memref<1x128x32xf32, #tpu.memory_space<vmem>> -> memref<128x32xf32, #tpu.memory_space<vmem>>
      %dma_start3A_35 = arith.constant 0 : i32
      %dma_start3A_36 = tpu.memref_slice %arg7[%add3A_29, %dma_start3A_35] : memref<80x128xi32, #tpu.memory_space<vmem>> -> memref<1x128xi32, #tpu.memory_space<vmem>>
      %dma_start3A_37 = tpu.memref_squeeze %dma_start3A_36 : memref<1x128xi32, #tpu.memory_space<vmem>> -> memref<128xi32, #tpu.memory_space<vmem>>
      %dma_start3A_38 = arith.constant 0 : i32
      %dma_start3A_39 = arith.constant 0 : i32
      %dma_start3A_40 = tpu.memref_slice %arg2[%dma_start3A_38, %dma_start3A_39] : memref<10000x32xf32, #tpu.memory_space<hbm>> -> memref<10000x32xf32, #tpu.memory_space<hbm>>
      tpu.enqueue_indirect_dma source(%dma_start3A_40 : memref<10000x32xf32, #tpu.memory_space<hbm>>) target(%dma_start3A_34 : memref<128x32xf32, #tpu.memory_space<vmem>>) offsets(%dma_start3A_37 : memref<128xi32, #tpu.memory_space<vmem>>) semaphore(%arg11 : memref<!tpu.dma_semaphore, #tpu.memory_space<semaphore_mem>>)
      %add3A_41 = arith.constant 2 : i32
      %add3A_42 = arith.addi %scan3A_15, %add3A_41 : i32
      %dma_start3A_43 = arith.constant 2 : i32
      %dma_start3A_44 = arith.constant 0 : i32
      %dma_start3A_45 = arith.constant 0 : i32
      %dma_start3A_46 = tpu.memref_slice %arg9[%dma_start3A_43, %dma_start3A_44, %dma_start3A_45] : memref<8x128x32xf32, #tpu.memory_space<vmem>> -> memref<1x128x32xf32, #tpu.memory_space<vmem>>
      %dma_start3A_47 = tpu.memref_squeeze %dma_start3A_46 : memref<1x128x32xf32, #tpu.memory_space<vmem>> -> memref<128x32xf32, #tpu.memory_space<vmem>>
      %dma_start3A_48 = arith.constant 0 : i32
      %dma_start3A_49 = tpu.memref_slice %arg7[%add3A_42, %dma_start3A_48] : memref<80x128xi32, #tpu.memory_space<vmem>> -> memref<1x128xi32, #tpu.memory_space<vmem>>
      %dma_start3A_50 = tpu.memref_squeeze %dma_start3A_49 : memref<1x128xi32, #tpu.memory_space<vmem>> -> memref<128xi32, #tpu.memory_space<vmem>>
      %dma_start3A_51 = arith.constant 0 : i32
      %dma_start3A_52 = arith.constant 0 : i32
      %dma_start3A_53 = tpu.memref_slice %arg2[%dma_start3A_51, %dma_start3A_52] : memref<10000x32xf32, #tpu.memory_space<hbm>> -> memref<10000x32xf32, #tpu.memory_space<hbm>>
      tpu.enqueue_indirect_dma source(%dma_start3A_53 : memref<10000x32xf32, #tpu.memory_space<hbm>>) target(%dma_start3A_47 : memref<128x32xf32, #tpu.memory_space<vmem>>) offsets(%dma_start3A_50 : memref<128xi32, #tpu.memory_space<vmem>>) semaphore(%arg11 : memref<!tpu.dma_semaphore, #tpu.memory_space<semaphore_mem>>)
      %add3A_54 = arith.constant 3 : i32
      %add3A_55 = arith.addi %scan3A_15, %add3A_54 : i32
      %dma_start3A_56 = arith.constant 3 : i32
      %dma_start3A_57 = arith.constant 0 : i32
      %dma_start3A_58 = arith.constant 0 : i32
      %dma_start3A_59 = tpu.memref_slice %arg9[%dma_start3A_56, %dma_start3A_57, %dma_start3A_58] : memref<8x128x32xf32, #tpu.memory_space<vmem>> -> memref<1x128x32xf32, #tpu.memory_space<vmem>>
      %dma_start3A_60 = tpu.memref_squeeze %dma_start3A_59 : memref<1x128x32xf32, #tpu.memory_space<vmem>> -> memref<128x32xf32, #tpu.memory_space<vmem>>
      %dma_start3A_61 = arith.constant 0 : i32
      %dma_start3A_62 = tpu.memref_slice %arg7[%add3A_55, %dma_start3A_61] : memref<80x128xi32, #tpu.memory_space<vmem>> -> memref<1x128xi32, #tpu.memory_space<vmem>>
      %dma_start3A_63 = tpu.memref_squeeze %dma_start3A_62 : memref<1x128xi32, #tpu.memory_space<vmem>> -> memref<128xi32, #tpu.memory_space<vmem>>
      %dma_start3A_64 = arith.constant 0 : i32
      %dma_start3A_65 = arith.constant 0 : i32
      %dma_start3A_66 = tpu.memref_slice %arg2[%dma_start3A_64, %dma_start3A_65] : memref<10000x32xf32, #tpu.memory_space<hbm>> -> memref<10000x32xf32, #tpu.memory_space<hbm>>
      tpu.enqueue_indirect_dma source(%dma_start3A_66 : memref<10000x32xf32, #tpu.memory_space<hbm>>) target(%dma_start3A_60 : memref<128x32xf32, #tpu.memory_space<vmem>>) offsets(%dma_start3A_63 : memref<128xi32, #tpu.memory_space<vmem>>) semaphore(%arg11 : memref<!tpu.dma_semaphore, #tpu.memory_space<semaphore_mem>>)
      %add3A_67 = arith.constant 4 : i32
      %add3A_68 = arith.addi %scan3A_15, %add3A_67 : i32
      %dma_start3A_69 = arith.constant 4 : i32
      %dma_start3A_70 = arith.constant 0 : i32
      %dma_start3A_71 = arith.constant 0 : i32
      %dma_start3A_72 = tpu.memref_slice %arg9[%dma_start3A_69, %dma_start3A_70, %dma_start3A_71] : memref<8x128x32xf32, #tpu.memory_space<vmem>> -> memref<1x128x32xf32, #tpu.memory_space<vmem>>
      %dma_start3A_73 = tpu.memref_squeeze %dma_start3A_72 : memref<1x128x32xf32, #tpu.memory_space<vmem>> -> memref<128x32xf32, #tpu.memory_space<vmem>>
      %dma_start3A_74 = arith.constant 0 : i32
      %dma_start3A_75 = tpu.memref_slice %arg7[%add3A_68, %dma_start3A_74] : memref<80x128xi32, #tpu.memory_space<vmem>> -> memref<1x128xi32, #tpu.memory_space<vmem>>
      %dma_start3A_76 = tpu.memref_squeeze %dma_start3A_75 : memref<1x128xi32, #tpu.memory_space<vmem>> -> memref<128xi32, #tpu.memory_space<vmem>>
      %dma_start3A_77 = arith.constant 0 : i32
      %dma_start3A_78 = arith.constant 0 : i32
      %dma_start3A_79 = tpu.memref_slice %arg2[%dma_start3A_77, %dma_start3A_78] : memref<10000x32xf32, #tpu.memory_space<hbm>> -> memref<10000x32xf32, #tpu.memory_space<hbm>>
      tpu.enqueue_indirect_dma source(%dma_start3A_79 : memref<10000x32xf32, #tpu.memory_space<hbm>>) target(%dma_start3A_73 : memref<128x32xf32, #tpu.memory_space<vmem>>) offsets(%dma_start3A_76 : memref<128xi32, #tpu.memory_space<vmem>>) semaphore(%arg11 : memref<!tpu.dma_semaphore, #tpu.memory_space<semaphore_mem>>)
      %add3A_80 = arith.constant 5 : i32
      %add3A_81 = arith.addi %scan3A_15, %add3A_80 : i32
      %dma_start3A_82 = arith.constant 5 : i32
      %dma_start3A_83 = arith.constant 0 : i32
      %dma_start3A_84 = arith.constant 0 : i32
      %dma_start3A_85 = tpu.memref_slice %arg9[%dma_start3A_82, %dma_start3A_83, %dma_start3A_84] : memref<8x128x32xf32, #tpu.memory_space<vmem>> -> memref<1x128x32xf32, #tpu.memory_space<vmem>>
      %dma_start3A_86 = tpu.memref_squeeze %dma_start3A_85 : memref<1x128x32xf32, #tpu.memory_space<vmem>> -> memref<128x32xf32, #tpu.memory_space<vmem>>
      %dma_start3A_87 = arith.constant 0 : i32
      %dma_start3A_88 = tpu.memref_slice %arg7[%add3A_81, %dma_start3A_87] : memref<80x128xi32, #tpu.memory_space<vmem>> -> memref<1x128xi32, #tpu.memory_space<vmem>>
      %dma_start3A_89 = tpu.memref_squeeze %dma_start3A_88 : memref<1x128xi32, #tpu.memory_space<vmem>> -> memref<128xi32, #tpu.memory_space<vmem>>
      %dma_start3A_90 = arith.constant 0 : i32
      %dma_start3A_91 = arith.constant 0 : i32
      %dma_start3A_92 = tpu.memref_slice %arg2[%dma_start3A_90, %dma_start3A_91] : memref<10000x32xf32, #tpu.memory_space<hbm>> -> memref<10000x32xf32, #tpu.memory_space<hbm>>
      tpu.enqueue_indirect_dma source(%dma_start3A_92 : memref<10000x32xf32, #tpu.memory_space<hbm>>) target(%dma_start3A_86 : memref<128x32xf32, #tpu.memory_space<vmem>>) offsets(%dma_start3A_89 : memref<128xi32, #tpu.memory_space<vmem>>) semaphore(%arg11 : memref<!tpu.dma_semaphore, #tpu.memory_space<semaphore_mem>>)
      %add3A_93 = arith.constant 6 : i32
      %add3A_94 = arith.addi %scan3A_15, %add3A_93 : i32
      %dma_start3A_95 = arith.constant 6 : i32
      %dma_start3A_96 = arith.constant 0 : i32
      %dma_start3A_97 = arith.constant 0 : i32
      %dma_start3A_98 = tpu.memref_slice %arg9[%dma_start3A_95, %dma_start3A_96, %dma_start3A_97] : memref<8x128x32xf32, #tpu.memory_space<vmem>> -> memref<1x128x32xf32, #tpu.memory_space<vmem>>
      %dma_start3A_99 = tpu.memref_squeeze %dma_start3A_98 : memref<1x128x32xf32, #tpu.memory_space<vmem>> -> memref<128x32xf32, #tpu.memory_space<vmem>>
      %dma_start3A_100 = arith.constant 0 : i32
      %dma_start3A_101 = tpu.memref_slice %arg7[%add3A_94, %dma_start3A_100] : memref<80x128xi32, #tpu.memory_space<vmem>> -> memref<1x128xi32, #tpu.memory_space<vmem>>
      %dma_start3A_102 = tpu.memref_squeeze %dma_start3A_101 : memref<1x128xi32, #tpu.memory_space<vmem>> -> memref<128xi32, #tpu.memory_space<vmem>>
      %dma_start3A_103 = arith.constant 0 : i32
      %dma_start3A_104 = arith.constant 0 : i32
      %dma_start3A_105 = tpu.memref_slice %arg2[%dma_start3A_103, %dma_start3A_104] : memref<10000x32xf32, #tpu.memory_space<hbm>> -> memref<10000x32xf32, #tpu.memory_space<hbm>>
      tpu.enqueue_indirect_dma source(%dma_start3A_105 : memref<10000x32xf32, #tpu.memory_space<hbm>>) target(%dma_start3A_99 : memref<128x32xf32, #tpu.memory_space<vmem>>) offsets(%dma_start3A_102 : memref<128xi32, #tpu.memory_space<vmem>>) semaphore(%arg11 : memref<!tpu.dma_semaphore, #tpu.memory_space<semaphore_mem>>)
      %add3A_106 = arith.constant 7 : i32
      %add3A_107 = arith.addi %scan3A_15, %add3A_106 : i32
      %dma_start3A_108 = arith.constant 7 : i32
      %dma_start3A_109 = arith.constant 0 : i32
      %dma_start3A_110 = arith.constant 0 : i32
      %dma_start3A_111 = tpu.memref_slice %arg9[%dma_start3A_108, %dma_start3A_109, %dma_start3A_110] : memref<8x128x32xf32, #tpu.memory_space<vmem>> -> memref<1x128x32xf32, #tpu.memory_space<vmem>>
      %dma_start3A_112 = tpu.memref_squeeze %dma_start3A_111 : memref<1x128x32xf32, #tpu.memory_space<vmem>> -> memref<128x32xf32, #tpu.memory_space<vmem>>
      %dma_start3A_113 = arith.constant 0 : i32
      %dma_start3A_114 = tpu.memref_slice %arg7[%add3A_107, %dma_start3A_113] : memref<80x128xi32, #tpu.memory_space<vmem>> -> memref<1x128xi32, #tpu.memory_space<vmem>>
      %dma_start3A_115 = tpu.memref_squeeze %dma_start3A_114 : memref<1x128xi32, #tpu.memory_space<vmem>> -> memref<128xi32, #tpu.memory_space<vmem>>
      %dma_start3A_116 = arith.constant 0 : i32
      %dma_start3A_117 = arith.constant 0 : i32
      %dma_start3A_118 = tpu.memref_slice %arg2[%dma_start3A_116, %dma_start3A_117] : memref<10000x32xf32, #tpu.memory_space<hbm>> -> memref<10000x32xf32, #tpu.memory_space<hbm>>
      tpu.enqueue_indirect_dma source(%dma_start3A_118 : memref<10000x32xf32, #tpu.memory_space<hbm>>) target(%dma_start3A_112 : memref<128x32xf32, #tpu.memory_space<vmem>>) offsets(%dma_start3A_115 : memref<128xi32, #tpu.memory_space<vmem>>) semaphore(%arg11 : memref<!tpu.dma_semaphore, #tpu.memory_space<semaphore_mem>>)
      %dma_wait3A = arith.constant 0 : i32
      %dma_wait3A_119 = arith.constant 0 : i32
      %dma_wait3A_120 = arith.constant 0 : i32
      %dma_wait3A_121 = tpu.memref_slice %arg9[%dma_wait3A, %dma_wait3A_119, %dma_wait3A_120] : memref<8x128x32xf32, #tpu.memory_space<vmem>> -> memref<1x128x32xf32, #tpu.memory_space<vmem>>
      %dma_wait3A_122 = tpu.memref_squeeze %dma_wait3A_121 : memref<1x128x32xf32, #tpu.memory_space<vmem>> -> memref<128x32xf32, #tpu.memory_space<vmem>>
      %dma_wait3A_123 = arith.constant 0 : i32
      %dma_wait3A_124 = tpu.memref_slice %arg7[%add3A_17, %dma_wait3A_123] : memref<80x128xi32, #tpu.memory_space<vmem>> -> memref<1x128xi32, #tpu.memory_space<vmem>>
      %dma_wait3A_125 = tpu.memref_squeeze %dma_wait3A_124 : memref<1x128xi32, #tpu.memory_space<vmem>> -> memref<128xi32, #tpu.memory_space<vmem>>
      %dma_wait3A_126 = arith.constant 0 : i32
      %dma_wait3A_127 = arith.constant 0 : i32
      %dma_wait3A_128 = tpu.memref_slice %arg2[%dma_wait3A_126, %dma_wait3A_127] : memref<10000x32xf32, #tpu.memory_space<hbm>> -> memref<10000x32xf32, #tpu.memory_space<hbm>>
      tpu.wait_indirect_dma semaphore(%arg11 : memref<!tpu.dma_semaphore, #tpu.memory_space<semaphore_mem>>) src(%dma_wait3A_128 : memref<10000x32xf32, #tpu.memory_space<hbm>>) dst(%dma_wait3A_122 : memref<128x32xf32, #tpu.memory_space<vmem>>)
      %add3A_129 = arith.constant 0 : i32
      %add3A_130 = arith.addi %scan3A_15, %add3A_129 : i32
      %dma_start3A_131 = arith.constant 0 : i32
      %dma_start3A_132 = arith.constant 0 : i32
      %dma_start3A_133 = arith.constant 0 : i32
      %dma_start3A_134 = tpu.memref_slice %arg9[%dma_start3A_131, %dma_start3A_132, %dma_start3A_133] : memref<8x128x32xf32, #tpu.memory_space<vmem>> -> memref<1x128x32xf32, #tpu.memory_space<vmem>>
      %dma_start3A_135 = tpu.memref_squeeze %dma_start3A_134 : memref<1x128x32xf32, #tpu.memory_space<vmem>> -> memref<128x32xf32, #tpu.memory_space<vmem>>
      %dma_start3A_136 = arith.constant 0 : i32
      %dma_start3A_137 = tpu.memref_slice %arg8[%add3A_130, %dma_start3A_136] : memref<80x128xi32, #tpu.memory_space<vmem>> -> memref<1x128xi32, #tpu.memory_space<vmem>>
      %dma_start3A_138 = tpu.memref_squeeze %dma_start3A_137 : memref<1x128xi32, #tpu.memory_space<vmem>> -> memref<128xi32, #tpu.memory_space<vmem>>
      %dma_start3A_139 = arith.constant 0 : i32
      %dma_start3A_140 = arith.constant 0 : i32
      %dma_start3A_141 = tpu.memref_slice %arg10[%dma_start3A_139, %dma_start3A_140] : memref<10240x32xf32, #tpu.memory_space<vmem_shared>> -> memref<10240x32xf32, #tpu.memory_space<vmem_shared>>
      tpu.enqueue_indirect_dma source(%dma_start3A_135 : memref<128x32xf32, #tpu.memory_space<vmem>>) target(%dma_start3A_141 : memref<10240x32xf32, #tpu.memory_space<vmem_shared>>) offsets(%dma_start3A_138 : memref<128xi32, #tpu.memory_space<vmem>>) semaphore(%arg12 : memref<!tpu.dma_semaphore, #tpu.memory_space<semaphore_mem>>) {add = true}
      %dma_wait3A_142 = arith.constant 1 : i32
      %dma_wait3A_143 = arith.constant 0 : i32
      %dma_wait3A_144 = arith.constant 0 : i32
      %dma_wait3A_145 = tpu.memref_slice %arg9[%dma_wait3A_142, %dma_wait3A_143, %dma_wait3A_144] : memref<8x128x32xf32, #tpu.memory_space<vmem>> -> memref<1x128x32xf32, #tpu.memory_space<vmem>>
      %dma_wait3A_146 = tpu.memref_squeeze %dma_wait3A_145 : memref<1x128x32xf32, #tpu.memory_space<vmem>> -> memref<128x32xf32, #tpu.memory_space<vmem>>
      %dma_wait3A_147 = arith.constant 0 : i32
      %dma_wait3A_148 = tpu.memref_slice %arg7[%add3A_29, %dma_wait3A_147] : memref<80x128xi32, #tpu.memory_space<vmem>> -> memref<1x128xi32, #tpu.memory_space<vmem>>
      %dma_wait3A_149 = tpu.memref_squeeze %dma_wait3A_148 : memref<1x128xi32, #tpu.memory_space<vmem>> -> memref<128xi32, #tpu.memory_space<vmem>>
      %dma_wait3A_150 = arith.constant 0 : i32
      %dma_wait3A_151 = arith.constant 0 : i32
      %dma_wait3A_152 = tpu.memref_slice %arg2[%dma_wait3A_150, %dma_wait3A_151] : memref<10000x32xf32, #tpu.memory_space<hbm>> -> memref<10000x32xf32, #tpu.memory_space<hbm>>
      tpu.wait_indirect_dma semaphore(%arg11 : memref<!tpu.dma_semaphore, #tpu.memory_space<semaphore_mem>>) src(%dma_wait3A_152 : memref<10000x32xf32, #tpu.memory_space<hbm>>) dst(%dma_wait3A_146 : memref<128x32xf32, #tpu.memory_space<vmem>>)
      %add3A_153 = arith.constant 1 : i32
      %add3A_154 = arith.addi %scan3A_15, %add3A_153 : i32
      %dma_start3A_155 = arith.constant 1 : i32
      %dma_start3A_156 = arith.constant 0 : i32
      %dma_start3A_157 = arith.constant 0 : i32
      %dma_start3A_158 = tpu.memref_slice %arg9[%dma_start3A_155, %dma_start3A_156, %dma_start3A_157] : memref<8x128x32xf32, #tpu.memory_space<vmem>> -> memref<1x128x32xf32, #tpu.memory_space<vmem>>
      %dma_start3A_159 = tpu.memref_squeeze %dma_start3A_158 : memref<1x128x32xf32, #tpu.memory_space<vmem>> -> memref<128x32xf32, #tpu.memory_space<vmem>>
      %dma_start3A_160 = arith.constant 0 : i32
      %dma_start3A_161 = tpu.memref_slice %arg8[%add3A_154, %dma_start3A_160] : memref<80x128xi32, #tpu.memory_space<vmem>> -> memref<1x128xi32, #tpu.memory_space<vmem>>
      %dma_start3A_162 = tpu.memref_squeeze %dma_start3A_161 : memref<1x128xi32, #tpu.memory_space<vmem>> -> memref<128xi32, #tpu.memory_space<vmem>>
      %dma_start3A_163 = arith.constant 0 : i32
      %dma_start3A_164 = arith.constant 0 : i32
      %dma_start3A_165 = tpu.memref_slice %arg10[%dma_start3A_163, %dma_start3A_164] : memref<10240x32xf32, #tpu.memory_space<vmem_shared>> -> memref<10240x32xf32, #tpu.memory_space<vmem_shared>>
      tpu.enqueue_indirect_dma source(%dma_start3A_159 : memref<128x32xf32, #tpu.memory_space<vmem>>) target(%dma_start3A_165 : memref<10240x32xf32, #tpu.memory_space<vmem_shared>>) offsets(%dma_start3A_162 : memref<128xi32, #tpu.memory_space<vmem>>) semaphore(%arg12 : memref<!tpu.dma_semaphore, #tpu.memory_space<semaphore_mem>>) {add = true}
      %dma_wait3A_166 = arith.constant 2 : i32
      %dma_wait3A_167 = arith.constant 0 : i32
      %dma_wait3A_168 = arith.constant 0 : i32
      %dma_wait3A_169 = tpu.memref_slice %arg9[%dma_wait3A_166, %dma_wait3A_167, %dma_wait3A_168] : memref<8x128x32xf32, #tpu.memory_space<vmem>> -> memref<1x128x32xf32, #tpu.memory_space<vmem>>
      %dma_wait3A_170 = tpu.memref_squeeze %dma_wait3A_169 : memref<1x128x32xf32, #tpu.memory_space<vmem>> -> memref<128x32xf32, #tpu.memory_space<vmem>>
      %dma_wait3A_171 = arith.constant 0 : i32
      %dma_wait3A_172 = tpu.memref_slice %arg7[%add3A_42, %dma_wait3A_171] : memref<80x128xi32, #tpu.memory_space<vmem>> -> memref<1x128xi32, #tpu.memory_space<vmem>>
      %dma_wait3A_173 = tpu.memref_squeeze %dma_wait3A_172 : memref<1x128xi32, #tpu.memory_space<vmem>> -> memref<128xi32, #tpu.memory_space<vmem>>
      %dma_wait3A_174 = arith.constant 0 : i32
      %dma_wait3A_175 = arith.constant 0 : i32
      %dma_wait3A_176 = tpu.memref_slice %arg2[%dma_wait3A_174, %dma_wait3A_175] : memref<10000x32xf32, #tpu.memory_space<hbm>> -> memref<10000x32xf32, #tpu.memory_space<hbm>>
      tpu.wait_indirect_dma semaphore(%arg11 : memref<!tpu.dma_semaphore, #tpu.memory_space<semaphore_mem>>) src(%dma_wait3A_176 : memref<10000x32xf32, #tpu.memory_space<hbm>>) dst(%dma_wait3A_170 : memref<128x32xf32, #tpu.memory_space<vmem>>)
      %add3A_177 = arith.constant 2 : i32
      %add3A_178 = arith.addi %scan3A_15, %add3A_177 : i32
      %dma_start3A_179 = arith.constant 2 : i32
      %dma_start3A_180 = arith.constant 0 : i32
      %dma_start3A_181 = arith.constant 0 : i32
      %dma_start3A_182 = tpu.memref_slice %arg9[%dma_start3A_179, %dma_start3A_180, %dma_start3A_181] : memref<8x128x32xf32, #tpu.memory_space<vmem>> -> memref<1x128x32xf32, #tpu.memory_space<vmem>>
      %dma_start3A_183 = tpu.memref_squeeze %dma_start3A_182 : memref<1x128x32xf32, #tpu.memory_space<vmem>> -> memref<128x32xf32, #tpu.memory_space<vmem>>
      %dma_start3A_184 = arith.constant 0 : i32
      %dma_start3A_185 = tpu.memref_slice %arg8[%add3A_178, %dma_start3A_184] : memref<80x128xi32, #tpu.memory_space<vmem>> -> memref<1x128xi32, #tpu.memory_space<vmem>>
      %dma_start3A_186 = tpu.memref_squeeze %dma_start3A_185 : memref<1x128xi32, #tpu.memory_space<vmem>> -> memref<128xi32, #tpu.memory_space<vmem>>
      %dma_start3A_187 = arith.constant 0 : i32
      %dma_start3A_188 = arith.constant 0 : i32
      %dma_start3A_189 = tpu.memref_slice %arg10[%dma_start3A_187, %dma_start3A_188] : memref<10240x32xf32, #tpu.memory_space<vmem_shared>> -> memref<10240x32xf32, #tpu.memory_space<vmem_shared>>
      tpu.enqueue_indirect_dma source(%dma_start3A_183 : memref<128x32xf32, #tpu.memory_space<vmem>>) target(%dma_start3A_189 : memref<10240x32xf32, #tpu.memory_space<vmem_shared>>) offsets(%dma_start3A_186 : memref<128xi32, #tpu.memory_space<vmem>>) semaphore(%arg12 : memref<!tpu.dma_semaphore, #tpu.memory_space<semaphore_mem>>) {add = true}
      %dma_wait3A_190 = arith.constant 3 : i32
      %dma_wait3A_191 = arith.constant 0 : i32
      %dma_wait3A_192 = arith.constant 0 : i32
      %dma_wait3A_193 = tpu.memref_slice %arg9[%dma_wait3A_190, %dma_wait3A_191, %dma_wait3A_192] : memref<8x128x32xf32, #tpu.memory_space<vmem>> -> memref<1x128x32xf32, #tpu.memory_space<vmem>>
      %dma_wait3A_194 = tpu.memref_squeeze %dma_wait3A_193 : memref<1x128x32xf32, #tpu.memory_space<vmem>> -> memref<128x32xf32, #tpu.memory_space<vmem>>
      %dma_wait3A_195 = arith.constant 0 : i32
      %dma_wait3A_196 = tpu.memref_slice %arg7[%add3A_55, %dma_wait3A_195] : memref<80x128xi32, #tpu.memory_space<vmem>> -> memref<1x128xi32, #tpu.memory_space<vmem>>
      %dma_wait3A_197 = tpu.memref_squeeze %dma_wait3A_196 : memref<1x128xi32, #tpu.memory_space<vmem>> -> memref<128xi32, #tpu.memory_space<vmem>>
      %dma_wait3A_198 = arith.constant 0 : i32
      %dma_wait3A_199 = arith.constant 0 : i32
      %dma_wait3A_200 = tpu.memref_slice %arg2[%dma_wait3A_198, %dma_wait3A_199] : memref<10000x32xf32, #tpu.memory_space<hbm>> -> memref<10000x32xf32, #tpu.memory_space<hbm>>
      tpu.wait_indirect_dma semaphore(%arg11 : memref<!tpu.dma_semaphore, #tpu.memory_space<semaphore_mem>>) src(%dma_wait3A_200 : memref<10000x32xf32, #tpu.memory_space<hbm>>) dst(%dma_wait3A_194 : memref<128x32xf32, #tpu.memory_space<vmem>>)
      %add3A_201 = arith.constant 3 : i32
      %add3A_202 = arith.addi %scan3A_15, %add3A_201 : i32
      %dma_start3A_203 = arith.constant 3 : i32
      %dma_start3A_204 = arith.constant 0 : i32
      %dma_start3A_205 = arith.constant 0 : i32
      %dma_start3A_206 = tpu.memref_slice %arg9[%dma_start3A_203, %dma_start3A_204, %dma_start3A_205] : memref<8x128x32xf32, #tpu.memory_space<vmem>> -> memref<1x128x32xf32, #tpu.memory_space<vmem>>
      %dma_start3A_207 = tpu.memref_squeeze %dma_start3A_206 : memref<1x128x32xf32, #tpu.memory_space<vmem>> -> memref<128x32xf32, #tpu.memory_space<vmem>>
      %dma_start3A_208 = arith.constant 0 : i32
      %dma_start3A_209 = tpu.memref_slice %arg8[%add3A_202, %dma_start3A_208] : memref<80x128xi32, #tpu.memory_space<vmem>> -> memref<1x128xi32, #tpu.memory_space<vmem>>
      %dma_start3A_210 = tpu.memref_squeeze %dma_start3A_209 : memref<1x128xi32, #tpu.memory_space<vmem>> -> memref<128xi32, #tpu.memory_space<vmem>>
      %dma_start3A_211 = arith.constant 0 : i32
      %dma_start3A_212 = arith.constant 0 : i32
      %dma_start3A_213 = tpu.memref_slice %arg10[%dma_start3A_211, %dma_start3A_212] : memref<10240x32xf32, #tpu.memory_space<vmem_shared>> -> memref<10240x32xf32, #tpu.memory_space<vmem_shared>>
      tpu.enqueue_indirect_dma source(%dma_start3A_207 : memref<128x32xf32, #tpu.memory_space<vmem>>) target(%dma_start3A_213 : memref<10240x32xf32, #tpu.memory_space<vmem_shared>>) offsets(%dma_start3A_210 : memref<128xi32, #tpu.memory_space<vmem>>) semaphore(%arg12 : memref<!tpu.dma_semaphore, #tpu.memory_space<semaphore_mem>>) {add = true}
      %dma_wait3A_214 = arith.constant 4 : i32
      %dma_wait3A_215 = arith.constant 0 : i32
      %dma_wait3A_216 = arith.constant 0 : i32
      %dma_wait3A_217 = tpu.memref_slice %arg9[%dma_wait3A_214, %dma_wait3A_215, %dma_wait3A_216] : memref<8x128x32xf32, #tpu.memory_space<vmem>> -> memref<1x128x32xf32, #tpu.memory_space<vmem>>
      %dma_wait3A_218 = tpu.memref_squeeze %dma_wait3A_217 : memref<1x128x32xf32, #tpu.memory_space<vmem>> -> memref<128x32xf32, #tpu.memory_space<vmem>>
      %dma_wait3A_219 = arith.constant 0 : i32
      %dma_wait3A_220 = tpu.memref_slice %arg7[%add3A_68, %dma_wait3A_219] : memref<80x128xi32, #tpu.memory_space<vmem>> -> memref<1x128xi32, #tpu.memory_space<vmem>>
      %dma_wait3A_221 = tpu.memref_squeeze %dma_wait3A_220 : memref<1x128xi32, #tpu.memory_space<vmem>> -> memref<128xi32, #tpu.memory_space<vmem>>
      %dma_wait3A_222 = arith.constant 0 : i32
      %dma_wait3A_223 = arith.constant 0 : i32
      %dma_wait3A_224 = tpu.memref_slice %arg2[%dma_wait3A_222, %dma_wait3A_223] : memref<10000x32xf32, #tpu.memory_space<hbm>> -> memref<10000x32xf32, #tpu.memory_space<hbm>>
      tpu.wait_indirect_dma semaphore(%arg11 : memref<!tpu.dma_semaphore, #tpu.memory_space<semaphore_mem>>) src(%dma_wait3A_224 : memref<10000x32xf32, #tpu.memory_space<hbm>>) dst(%dma_wait3A_218 : memref<128x32xf32, #tpu.memory_space<vmem>>)
      %add3A_225 = arith.constant 4 : i32
      %add3A_226 = arith.addi %scan3A_15, %add3A_225 : i32
      %dma_start3A_227 = arith.constant 4 : i32
      %dma_start3A_228 = arith.constant 0 : i32
      %dma_start3A_229 = arith.constant 0 : i32
      %dma_start3A_230 = tpu.memref_slice %arg9[%dma_start3A_227, %dma_start3A_228, %dma_start3A_229] : memref<8x128x32xf32, #tpu.memory_space<vmem>> -> memref<1x128x32xf32, #tpu.memory_space<vmem>>
      %dma_start3A_231 = tpu.memref_squeeze %dma_start3A_230 : memref<1x128x32xf32, #tpu.memory_space<vmem>> -> memref<128x32xf32, #tpu.memory_space<vmem>>
      %dma_start3A_232 = arith.constant 0 : i32
      %dma_start3A_233 = tpu.memref_slice %arg8[%add3A_226, %dma_start3A_232] : memref<80x128xi32, #tpu.memory_space<vmem>> -> memref<1x128xi32, #tpu.memory_space<vmem>>
      %dma_start3A_234 = tpu.memref_squeeze %dma_start3A_233 : memref<1x128xi32, #tpu.memory_space<vmem>> -> memref<128xi32, #tpu.memory_space<vmem>>
      %dma_start3A_235 = arith.constant 0 : i32
      %dma_start3A_236 = arith.constant 0 : i32
      %dma_start3A_237 = tpu.memref_slice %arg10[%dma_start3A_235, %dma_start3A_236] : memref<10240x32xf32, #tpu.memory_space<vmem_shared>> -> memref<10240x32xf32, #tpu.memory_space<vmem_shared>>
      tpu.enqueue_indirect_dma source(%dma_start3A_231 : memref<128x32xf32, #tpu.memory_space<vmem>>) target(%dma_start3A_237 : memref<10240x32xf32, #tpu.memory_space<vmem_shared>>) offsets(%dma_start3A_234 : memref<128xi32, #tpu.memory_space<vmem>>) semaphore(%arg12 : memref<!tpu.dma_semaphore, #tpu.memory_space<semaphore_mem>>) {add = true}
      %dma_wait3A_238 = arith.constant 5 : i32
      %dma_wait3A_239 = arith.constant 0 : i32
      %dma_wait3A_240 = arith.constant 0 : i32
      %dma_wait3A_241 = tpu.memref_slice %arg9[%dma_wait3A_238, %dma_wait3A_239, %dma_wait3A_240] : memref<8x128x32xf32, #tpu.memory_space<vmem>> -> memref<1x128x32xf32, #tpu.memory_space<vmem>>
      %dma_wait3A_242 = tpu.memref_squeeze %dma_wait3A_241 : memref<1x128x32xf32, #tpu.memory_space<vmem>> -> memref<128x32xf32, #tpu.memory_space<vmem>>
      %dma_wait3A_243 = arith.constant 0 : i32
      %dma_wait3A_244 = tpu.memref_slice %arg7[%add3A_81, %dma_wait3A_243] : memref<80x128xi32, #tpu.memory_space<vmem>> -> memref<1x128xi32, #tpu.memory_space<vmem>>
      %dma_wait3A_245 = tpu.memref_squeeze %dma_wait3A_244 : memref<1x128xi32, #tpu.memory_space<vmem>> -> memref<128xi32, #tpu.memory_space<vmem>>
      %dma_wait3A_246 = arith.constant 0 : i32
      %dma_wait3A_247 = arith.constant 0 : i32
      %dma_wait3A_248 = tpu.memref_slice %arg2[%dma_wait3A_246, %dma_wait3A_247] : memref<10000x32xf32, #tpu.memory_space<hbm>> -> memref<10000x32xf32, #tpu.memory_space<hbm>>
      tpu.wait_indirect_dma semaphore(%arg11 : memref<!tpu.dma_semaphore, #tpu.memory_space<semaphore_mem>>) src(%dma_wait3A_248 : memref<10000x32xf32, #tpu.memory_space<hbm>>) dst(%dma_wait3A_242 : memref<128x32xf32, #tpu.memory_space<vmem>>)
      %add3A_249 = arith.constant 5 : i32
      %add3A_250 = arith.addi %scan3A_15, %add3A_249 : i32
      %dma_start3A_251 = arith.constant 5 : i32
      %dma_start3A_252 = arith.constant 0 : i32
      %dma_start3A_253 = arith.constant 0 : i32
      %dma_start3A_254 = tpu.memref_slice %arg9[%dma_start3A_251, %dma_start3A_252, %dma_start3A_253] : memref<8x128x32xf32, #tpu.memory_space<vmem>> -> memref<1x128x32xf32, #tpu.memory_space<vmem>>
      %dma_start3A_255 = tpu.memref_squeeze %dma_start3A_254 : memref<1x128x32xf32, #tpu.memory_space<vmem>> -> memref<128x32xf32, #tpu.memory_space<vmem>>
      %dma_start3A_256 = arith.constant 0 : i32
      %dma_start3A_257 = tpu.memref_slice %arg8[%add3A_250, %dma_start3A_256] : memref<80x128xi32, #tpu.memory_space<vmem>> -> memref<1x128xi32, #tpu.memory_space<vmem>>
      %dma_start3A_258 = tpu.memref_squeeze %dma_start3A_257 : memref<1x128xi32, #tpu.memory_space<vmem>> -> memref<128xi32, #tpu.memory_space<vmem>>
      %dma_start3A_259 = arith.constant 0 : i32
      %dma_start3A_260 = arith.constant 0 : i32
      %dma_start3A_261 = tpu.memref_slice %arg10[%dma_start3A_259, %dma_start3A_260] : memref<10240x32xf32, #tpu.memory_space<vmem_shared>> -> memref<10240x32xf32, #tpu.memory_space<vmem_shared>>
      tpu.enqueue_indirect_dma source(%dma_start3A_255 : memref<128x32xf32, #tpu.memory_space<vmem>>) target(%dma_start3A_261 : memref<10240x32xf32, #tpu.memory_space<vmem_shared>>) offsets(%dma_start3A_258 : memref<128xi32, #tpu.memory_space<vmem>>) semaphore(%arg12 : memref<!tpu.dma_semaphore, #tpu.memory_space<semaphore_mem>>) {add = true}
      %dma_wait3A_262 = arith.constant 6 : i32
      %dma_wait3A_263 = arith.constant 0 : i32
      %dma_wait3A_264 = arith.constant 0 : i32
      %dma_wait3A_265 = tpu.memref_slice %arg9[%dma_wait3A_262, %dma_wait3A_263, %dma_wait3A_264] : memref<8x128x32xf32, #tpu.memory_space<vmem>> -> memref<1x128x32xf32, #tpu.memory_space<vmem>>
      %dma_wait3A_266 = tpu.memref_squeeze %dma_wait3A_265 : memref<1x128x32xf32, #tpu.memory_space<vmem>> -> memref<128x32xf32, #tpu.memory_space<vmem>>
      %dma_wait3A_267 = arith.constant 0 : i32
      %dma_wait3A_268 = tpu.memref_slice %arg7[%add3A_94, %dma_wait3A_267] : memref<80x128xi32, #tpu.memory_space<vmem>> -> memref<1x128xi32, #tpu.memory_space<vmem>>
      %dma_wait3A_269 = tpu.memref_squeeze %dma_wait3A_268 : memref<1x128xi32, #tpu.memory_space<vmem>> -> memref<128xi32, #tpu.memory_space<vmem>>
      %dma_wait3A_270 = arith.constant 0 : i32
      %dma_wait3A_271 = arith.constant 0 : i32
      %dma_wait3A_272 = tpu.memref_slice %arg2[%dma_wait3A_270, %dma_wait3A_271] : memref<10000x32xf32, #tpu.memory_space<hbm>> -> memref<10000x32xf32, #tpu.memory_space<hbm>>
      tpu.wait_indirect_dma semaphore(%arg11 : memref<!tpu.dma_semaphore, #tpu.memory_space<semaphore_mem>>) src(%dma_wait3A_272 : memref<10000x32xf32, #tpu.memory_space<hbm>>) dst(%dma_wait3A_266 : memref<128x32xf32, #tpu.memory_space<vmem>>)
      %add3A_273 = arith.constant 6 : i32
      %add3A_274 = arith.addi %scan3A_15, %add3A_273 : i32
      %dma_start3A_275 = arith.constant 6 : i32
      %dma_start3A_276 = arith.constant 0 : i32
      %dma_start3A_277 = arith.constant 0 : i32
      %dma_start3A_278 = tpu.memref_slice %arg9[%dma_start3A_275, %dma_start3A_276, %dma_start3A_277] : memref<8x128x32xf32, #tpu.memory_space<vmem>> -> memref<1x128x32xf32, #tpu.memory_space<vmem>>
      %dma_start3A_279 = tpu.memref_squeeze %dma_start3A_278 : memref<1x128x32xf32, #tpu.memory_space<vmem>> -> memref<128x32xf32, #tpu.memory_space<vmem>>
      %dma_start3A_280 = arith.constant 0 : i32
      %dma_start3A_281 = tpu.memref_slice %arg8[%add3A_274, %dma_start3A_280] : memref<80x128xi32, #tpu.memory_space<vmem>> -> memref<1x128xi32, #tpu.memory_space<vmem>>
      %dma_start3A_282 = tpu.memref_squeeze %dma_start3A_281 : memref<1x128xi32, #tpu.memory_space<vmem>> -> memref<128xi32, #tpu.memory_space<vmem>>
      %dma_start3A_283 = arith.constant 0 : i32
      %dma_start3A_284 = arith.constant 0 : i32
      %dma_start3A_285 = tpu.memref_slice %arg10[%dma_start3A_283, %dma_start3A_284] : memref<10240x32xf32, #tpu.memory_space<vmem_shared>> -> memref<10240x32xf32, #tpu.memory_space<vmem_shared>>
      tpu.enqueue_indirect_dma source(%dma_start3A_279 : memref<128x32xf32, #tpu.memory_space<vmem>>) target(%dma_start3A_285 : memref<10240x32xf32, #tpu.memory_space<vmem_shared>>) offsets(%dma_start3A_282 : memref<128xi32, #tpu.memory_space<vmem>>) semaphore(%arg12 : memref<!tpu.dma_semaphore, #tpu.memory_space<semaphore_mem>>) {add = true}
      %dma_wait3A_286 = arith.constant 7 : i32
      %dma_wait3A_287 = arith.constant 0 : i32
      %dma_wait3A_288 = arith.constant 0 : i32
      %dma_wait3A_289 = tpu.memref_slice %arg9[%dma_wait3A_286, %dma_wait3A_287, %dma_wait3A_288] : memref<8x128x32xf32, #tpu.memory_space<vmem>> -> memref<1x128x32xf32, #tpu.memory_space<vmem>>
      %dma_wait3A_290 = tpu.memref_squeeze %dma_wait3A_289 : memref<1x128x32xf32, #tpu.memory_space<vmem>> -> memref<128x32xf32, #tpu.memory_space<vmem>>
      %dma_wait3A_291 = arith.constant 0 : i32
      %dma_wait3A_292 = tpu.memref_slice %arg7[%add3A_107, %dma_wait3A_291] : memref<80x128xi32, #tpu.memory_space<vmem>> -> memref<1x128xi32, #tpu.memory_space<vmem>>
      %dma_wait3A_293 = tpu.memref_squeeze %dma_wait3A_292 : memref<1x128xi32, #tpu.memory_space<vmem>> -> memref<128xi32, #tpu.memory_space<vmem>>
      %dma_wait3A_294 = arith.constant 0 : i32
      %dma_wait3A_295 = arith.constant 0 : i32
      %dma_wait3A_296 = tpu.memref_slice %arg2[%dma_wait3A_294, %dma_wait3A_295] : memref<10000x32xf32, #tpu.memory_space<hbm>> -> memref<10000x32xf32, #tpu.memory_space<hbm>>
      tpu.wait_indirect_dma semaphore(%arg11 : memref<!tpu.dma_semaphore, #tpu.memory_space<semaphore_mem>>) src(%dma_wait3A_296 : memref<10000x32xf32, #tpu.memory_space<hbm>>) dst(%dma_wait3A_290 : memref<128x32xf32, #tpu.memory_space<vmem>>)
      %add3A_297 = arith.constant 7 : i32
      %add3A_298 = arith.addi %scan3A_15, %add3A_297 : i32
      %dma_start3A_299 = arith.constant 7 : i32
      %dma_start3A_300 = arith.constant 0 : i32
      %dma_start3A_301 = arith.constant 0 : i32
      %dma_start3A_302 = tpu.memref_slice %arg9[%dma_start3A_299, %dma_start3A_300, %dma_start3A_301] : memref<8x128x32xf32, #tpu.memory_space<vmem>> -> memref<1x128x32xf32, #tpu.memory_space<vmem>>
      %dma_start3A_303 = tpu.memref_squeeze %dma_start3A_302 : memref<1x128x32xf32, #tpu.memory_space<vmem>> -> memref<128x32xf32, #tpu.memory_space<vmem>>
      %dma_start3A_304 = arith.constant 0 : i32
      %dma_start3A_305 = tpu.memref_slice %arg8[%add3A_298, %dma_start3A_304] : memref<80x128xi32, #tpu.memory_space<vmem>> -> memref<1x128xi32, #tpu.memory_space<vmem>>
      %dma_start3A_306 = tpu.memref_squeeze %dma_start3A_305 : memref<1x128xi32, #tpu.memory_space<vmem>> -> memref<128xi32, #tpu.memory_space<vmem>>
      %dma_start3A_307 = arith.constant 0 : i32
      %dma_start3A_308 = arith.constant 0 : i32
      %dma_start3A_309 = tpu.memref_slice %arg10[%dma_start3A_307, %dma_start3A_308] : memref<10240x32xf32, #tpu.memory_space<vmem_shared>> -> memref<10240x32xf32, #tpu.memory_space<vmem_shared>>
      tpu.enqueue_indirect_dma source(%dma_start3A_303 : memref<128x32xf32, #tpu.memory_space<vmem>>) target(%dma_start3A_309 : memref<10240x32xf32, #tpu.memory_space<vmem_shared>>) offsets(%dma_start3A_306 : memref<128xi32, #tpu.memory_space<vmem>>) semaphore(%arg12 : memref<!tpu.dma_semaphore, #tpu.memory_space<semaphore_mem>>) {add = true}
      %dma_wait3A_310 = arith.constant 0 : i32
      %dma_wait3A_311 = arith.constant 0 : i32
      %dma_wait3A_312 = arith.constant 0 : i32
      %dma_wait3A_313 = tpu.memref_slice %arg9[%dma_wait3A_310, %dma_wait3A_311, %dma_wait3A_312] : memref<8x128x32xf32, #tpu.memory_space<vmem>> -> memref<1x128x32xf32, #tpu.memory_space<vmem>>
      %dma_wait3A_314 = tpu.memref_squeeze %dma_wait3A_313 : memref<1x128x32xf32, #tpu.memory_space<vmem>> -> memref<128x32xf32, #tpu.memory_space<vmem>>
      %dma_wait3A_315 = arith.constant 0 : i32
      %dma_wait3A_316 = tpu.memref_slice %arg8[%add3A_130, %dma_wait3A_315] : memref<80x128xi32, #tpu.memory_space<vmem>> -> memref<1x128xi32, #tpu.memory_space<vmem>>
      %dma_wait3A_317 = tpu.memref_squeeze %dma_wait3A_316 : memref<1x128xi32, #tpu.memory_space<vmem>> -> memref<128xi32, #tpu.memory_space<vmem>>
      %dma_wait3A_318 = arith.constant 0 : i32
      %dma_wait3A_319 = arith.constant 0 : i32
      %dma_wait3A_320 = tpu.memref_slice %arg10[%dma_wait3A_318, %dma_wait3A_319] : memref<10240x32xf32, #tpu.memory_space<vmem_shared>> -> memref<10240x32xf32, #tpu.memory_space<vmem_shared>>
      tpu.wait_indirect_dma semaphore(%arg12 : memref<!tpu.dma_semaphore, #tpu.memory_space<semaphore_mem>>) src(%dma_wait3A_314 : memref<128x32xf32, #tpu.memory_space<vmem>>) dst(%dma_wait3A_320 : memref<10240x32xf32, #tpu.memory_space<vmem_shared>>)
      %dma_wait3A_321 = arith.constant 1 : i32
      %dma_wait3A_322 = arith.constant 0 : i32
      %dma_wait3A_323 = arith.constant 0 : i32
      %dma_wait3A_324 = tpu.memref_slice %arg9[%dma_wait3A_321, %dma_wait3A_322, %dma_wait3A_323] : memref<8x128x32xf32, #tpu.memory_space<vmem>> -> memref<1x128x32xf32, #tpu.memory_space<vmem>>
      %dma_wait3A_325 = tpu.memref_squeeze %dma_wait3A_324 : memref<1x128x32xf32, #tpu.memory_space<vmem>> -> memref<128x32xf32, #tpu.memory_space<vmem>>
      %dma_wait3A_326 = arith.constant 0 : i32
      %dma_wait3A_327 = tpu.memref_slice %arg8[%add3A_154, %dma_wait3A_326] : memref<80x128xi32, #tpu.memory_space<vmem>> -> memref<1x128xi32, #tpu.memory_space<vmem>>
      %dma_wait3A_328 = tpu.memref_squeeze %dma_wait3A_327 : memref<1x128xi32, #tpu.memory_space<vmem>> -> memref<128xi32, #tpu.memory_space<vmem>>
      %dma_wait3A_329 = arith.constant 0 : i32
      %dma_wait3A_330 = arith.constant 0 : i32
      %dma_wait3A_331 = tpu.memref_slice %arg10[%dma_wait3A_329, %dma_wait3A_330] : memref<10240x32xf32, #tpu.memory_space<vmem_shared>> -> memref<10240x32xf32, #tpu.memory_space<vmem_shared>>
      tpu.wait_indirect_dma semaphore(%arg12 : memref<!tpu.dma_semaphore, #tpu.memory_space<semaphore_mem>>) src(%dma_wait3A_325 : memref<128x32xf32, #tpu.memory_space<vmem>>) dst(%dma_wait3A_331 : memref<10240x32xf32, #tpu.memory_space<vmem_shared>>)
      %dma_wait3A_332 = arith.constant 2 : i32
      %dma_wait3A_333 = arith.constant 0 : i32
      %dma_wait3A_334 = arith.constant 0 : i32
      %dma_wait3A_335 = tpu.memref_slice %arg9[%dma_wait3A_332, %dma_wait3A_333, %dma_wait3A_334] : memref<8x128x32xf32, #tpu.memory_space<vmem>> -> memref<1x128x32xf32, #tpu.memory_space<vmem>>
      %dma_wait3A_336 = tpu.memref_squeeze %dma_wait3A_335 : memref<1x128x32xf32, #tpu.memory_space<vmem>> -> memref<128x32xf32, #tpu.memory_space<vmem>>
      %dma_wait3A_337 = arith.constant 0 : i32
      %dma_wait3A_338 = tpu.memref_slice %arg8[%add3A_178, %dma_wait3A_337] : memref<80x128xi32, #tpu.memory_space<vmem>> -> memref<1x128xi32, #tpu.memory_space<vmem>>
      %dma_wait3A_339 = tpu.memref_squeeze %dma_wait3A_338 : memref<1x128xi32, #tpu.memory_space<vmem>> -> memref<128xi32, #tpu.memory_space<vmem>>
      %dma_wait3A_340 = arith.constant 0 : i32
      %dma_wait3A_341 = arith.constant 0 : i32
      %dma_wait3A_342 = tpu.memref_slice %arg10[%dma_wait3A_340, %dma_wait3A_341] : memref<10240x32xf32, #tpu.memory_space<vmem_shared>> -> memref<10240x32xf32, #tpu.memory_space<vmem_shared>>
      tpu.wait_indirect_dma semaphore(%arg12 : memref<!tpu.dma_semaphore, #tpu.memory_space<semaphore_mem>>) src(%dma_wait3A_336 : memref<128x32xf32, #tpu.memory_space<vmem>>) dst(%dma_wait3A_342 : memref<10240x32xf32, #tpu.memory_space<vmem_shared>>)
      %dma_wait3A_343 = arith.constant 3 : i32
      %dma_wait3A_344 = arith.constant 0 : i32
      %dma_wait3A_345 = arith.constant 0 : i32
      %dma_wait3A_346 = tpu.memref_slice %arg9[%dma_wait3A_343, %dma_wait3A_344, %dma_wait3A_345] : memref<8x128x32xf32, #tpu.memory_space<vmem>> -> memref<1x128x32xf32, #tpu.memory_space<vmem>>
      %dma_wait3A_347 = tpu.memref_squeeze %dma_wait3A_346 : memref<1x128x32xf32, #tpu.memory_space<vmem>> -> memref<128x32xf32, #tpu.memory_space<vmem>>
      %dma_wait3A_348 = arith.constant 0 : i32
      %dma_wait3A_349 = tpu.memref_slice %arg8[%add3A_202, %dma_wait3A_348] : memref<80x128xi32, #tpu.memory_space<vmem>> -> memref<1x128xi32, #tpu.memory_space<vmem>>
      %dma_wait3A_350 = tpu.memref_squeeze %dma_wait3A_349 : memref<1x128xi32, #tpu.memory_space<vmem>> -> memref<128xi32, #tpu.memory_space<vmem>>
      %dma_wait3A_351 = arith.constant 0 : i32
      %dma_wait3A_352 = arith.constant 0 : i32
      %dma_wait3A_353 = tpu.memref_slice %arg10[%dma_wait3A_351, %dma_wait3A_352] : memref<10240x32xf32, #tpu.memory_space<vmem_shared>> -> memref<10240x32xf32, #tpu.memory_space<vmem_shared>>
      tpu.wait_indirect_dma semaphore(%arg12 : memref<!tpu.dma_semaphore, #tpu.memory_space<semaphore_mem>>) src(%dma_wait3A_347 : memref<128x32xf32, #tpu.memory_space<vmem>>) dst(%dma_wait3A_353 : memref<10240x32xf32, #tpu.memory_space<vmem_shared>>)
      %dma_wait3A_354 = arith.constant 4 : i32
      %dma_wait3A_355 = arith.constant 0 : i32
      %dma_wait3A_356 = arith.constant 0 : i32
      %dma_wait3A_357 = tpu.memref_slice %arg9[%dma_wait3A_354, %dma_wait3A_355, %dma_wait3A_356] : memref<8x128x32xf32, #tpu.memory_space<vmem>> -> memref<1x128x32xf32, #tpu.memory_space<vmem>>
      %dma_wait3A_358 = tpu.memref_squeeze %dma_wait3A_357 : memref<1x128x32xf32, #tpu.memory_space<vmem>> -> memref<128x32xf32, #tpu.memory_space<vmem>>
      %dma_wait3A_359 = arith.constant 0 : i32
      %dma_wait3A_360 = tpu.memref_slice %arg8[%add3A_226, %dma_wait3A_359] : memref<80x128xi32, #tpu.memory_space<vmem>> -> memref<1x128xi32, #tpu.memory_space<vmem>>
      %dma_wait3A_361 = tpu.memref_squeeze %dma_wait3A_360 : memref<1x128xi32, #tpu.memory_space<vmem>> -> memref<128xi32, #tpu.memory_space<vmem>>
      %dma_wait3A_362 = arith.constant 0 : i32
      %dma_wait3A_363 = arith.constant 0 : i32
      %dma_wait3A_364 = tpu.memref_slice %arg10[%dma_wait3A_362, %dma_wait3A_363] : memref<10240x32xf32, #tpu.memory_space<vmem_shared>> -> memref<10240x32xf32, #tpu.memory_space<vmem_shared>>
      tpu.wait_indirect_dma semaphore(%arg12 : memref<!tpu.dma_semaphore, #tpu.memory_space<semaphore_mem>>) src(%dma_wait3A_358 : memref<128x32xf32, #tpu.memory_space<vmem>>) dst(%dma_wait3A_364 : memref<10240x32xf32, #tpu.memory_space<vmem_shared>>)
      %dma_wait3A_365 = arith.constant 5 : i32
      %dma_wait3A_366 = arith.constant 0 : i32
      %dma_wait3A_367 = arith.constant 0 : i32
      %dma_wait3A_368 = tpu.memref_slice %arg9[%dma_wait3A_365, %dma_wait3A_366, %dma_wait3A_367] : memref<8x128x32xf32, #tpu.memory_space<vmem>> -> memref<1x128x32xf32, #tpu.memory_space<vmem>>
      %dma_wait3A_369 = tpu.memref_squeeze %dma_wait3A_368 : memref<1x128x32xf32, #tpu.memory_space<vmem>> -> memref<128x32xf32, #tpu.memory_space<vmem>>
      %dma_wait3A_370 = arith.constant 0 : i32
      %dma_wait3A_371 = tpu.memref_slice %arg8[%add3A_250, %dma_wait3A_370] : memref<80x128xi32, #tpu.memory_space<vmem>> -> memref<1x128xi32, #tpu.memory_space<vmem>>
      %dma_wait3A_372 = tpu.memref_squeeze %dma_wait3A_371 : memref<1x128xi32, #tpu.memory_space<vmem>> -> memref<128xi32, #tpu.memory_space<vmem>>
      %dma_wait3A_373 = arith.constant 0 : i32
      %dma_wait3A_374 = arith.constant 0 : i32
      %dma_wait3A_375 = tpu.memref_slice %arg10[%dma_wait3A_373, %dma_wait3A_374] : memref<10240x32xf32, #tpu.memory_space<vmem_shared>> -> memref<10240x32xf32, #tpu.memory_space<vmem_shared>>
      tpu.wait_indirect_dma semaphore(%arg12 : memref<!tpu.dma_semaphore, #tpu.memory_space<semaphore_mem>>) src(%dma_wait3A_369 : memref<128x32xf32, #tpu.memory_space<vmem>>) dst(%dma_wait3A_375 : memref<10240x32xf32, #tpu.memory_space<vmem_shared>>)
      %dma_wait3A_376 = arith.constant 6 : i32
      %dma_wait3A_377 = arith.constant 0 : i32
      %dma_wait3A_378 = arith.constant 0 : i32
      %dma_wait3A_379 = tpu.memref_slice %arg9[%dma_wait3A_376, %dma_wait3A_377, %dma_wait3A_378] : memref<8x128x32xf32, #tpu.memory_space<vmem>> -> memref<1x128x32xf32, #tpu.memory_space<vmem>>
      %dma_wait3A_380 = tpu.memref_squeeze %dma_wait3A_379 : memref<1x128x32xf32, #tpu.memory_space<vmem>> -> memref<128x32xf32, #tpu.memory_space<vmem>>
      %dma_wait3A_381 = arith.constant 0 : i32
      %dma_wait3A_382 = tpu.memref_slice %arg8[%add3A_274, %dma_wait3A_381] : memref<80x128xi32, #tpu.memory_space<vmem>> -> memref<1x128xi32, #tpu.memory_space<vmem>>
      %dma_wait3A_383 = tpu.memref_squeeze %dma_wait3A_382 : memref<1x128xi32, #tpu.memory_space<vmem>> -> memref<128xi32, #tpu.memory_space<vmem>>
      %dma_wait3A_384 = arith.constant 0 : i32
      %dma_wait3A_385 = arith.constant 0 : i32
      %dma_wait3A_386 = tpu.memref_slice %arg10[%dma_wait3A_384, %dma_wait3A_385] : memref<10240x32xf32, #tpu.memory_space<vmem_shared>> -> memref<10240x32xf32, #tpu.memory_space<vmem_shared>>
      tpu.wait_indirect_dma semaphore(%arg12 : memref<!tpu.dma_semaphore, #tpu.memory_space<semaphore_mem>>) src(%dma_wait3A_380 : memref<128x32xf32, #tpu.memory_space<vmem>>) dst(%dma_wait3A_386 : memref<10240x32xf32, #tpu.memory_space<vmem_shared>>)
      %dma_wait3A_387 = arith.constant 7 : i32
      %dma_wait3A_388 = arith.constant 0 : i32
      %dma_wait3A_389 = arith.constant 0 : i32
      %dma_wait3A_390 = tpu.memref_slice %arg9[%dma_wait3A_387, %dma_wait3A_388, %dma_wait3A_389] : memref<8x128x32xf32, #tpu.memory_space<vmem>> -> memref<1x128x32xf32, #tpu.memory_space<vmem>>
      %dma_wait3A_391 = tpu.memref_squeeze %dma_wait3A_390 : memref<1x128x32xf32, #tpu.memory_space<vmem>> -> memref<128x32xf32, #tpu.memory_space<vmem>>
      %dma_wait3A_392 = arith.constant 0 : i32
      %dma_wait3A_393 = tpu.memref_slice %arg8[%add3A_298, %dma_wait3A_392] : memref<80x128xi32, #tpu.memory_space<vmem>> -> memref<1x128xi32, #tpu.memory_space<vmem>>
      %dma_wait3A_394 = tpu.memref_squeeze %dma_wait3A_393 : memref<1x128xi32, #tpu.memory_space<vmem>> -> memref<128xi32, #tpu.memory_space<vmem>>
      %dma_wait3A_395 = arith.constant 0 : i32
      %dma_wait3A_396 = arith.constant 0 : i32
      %dma_wait3A_397 = tpu.memref_slice %arg10[%dma_wait3A_395, %dma_wait3A_396] : memref<10240x32xf32, #tpu.memory_space<vmem_shared>> -> memref<10240x32xf32, #tpu.memory_space<vmem_shared>>
      tpu.wait_indirect_dma semaphore(%arg12 : memref<!tpu.dma_semaphore, #tpu.memory_space<semaphore_mem>>) src(%dma_wait3A_391 : memref<128x32xf32, #tpu.memory_space<vmem>>) dst(%dma_wait3A_397 : memref<10240x32xf32, #tpu.memory_space<vmem_shared>>)
      %add3A_398 = arith.constant 8 : i32
      %add3A_399 = arith.addi %scan3A_15, %add3A_398 : i32
      scf.yield %add3A_399 : i32
    }
    %scan3A_8 = arith.constant 10 : i32
    %barrier3A_9 = arith.constant 0 : index
    tpu.barrier barrier_id(%barrier3A_9)
    %mul3A_10 = arith.constant 640 : i32
    %mul3A_11 = arith.muli %arg1, %mul3A_10 : i32
    %mul3A_12 = arith.constant 640 : i32
    %mul3A_13 = arith.muli %arg1, %mul3A_12 : i32
    "tpu.region"() ({
      %run_scoped3A = tpu.sem_alloc : memref<!tpu.dma_semaphore, #tpu.memory_space<semaphore_mem>>
      %dma_start3A = arith.constant 0 : i32
      %dma_start3A_14 = tpu.memref_slice %arg6[%arg0, %mul3A_13, %dma_start3A] : memref<2x10240x32xf32, #tpu.memory_space<hbm>> -> memref<1x640x32xf32, #tpu.memory_space<hbm>>
      %dma_start3A_15 = tpu.memref_squeeze %dma_start3A_14 : memref<1x640x32xf32, #tpu.memory_space<hbm>> -> memref<640x32xf32, #tpu.memory_space<hbm>>
      %dma_start3A_16 = arith.constant 0 : i32
      %dma_start3A_17 = tpu.memref_slice %arg10[%mul3A_11, %dma_start3A_16] : memref<10240x32xf32, #tpu.memory_space<vmem_shared>> -> memref<640x32xf32, #tpu.memory_space<vmem_shared>>
      tpu.enqueue_dma source(%dma_start3A_17 : memref<640x32xf32, #tpu.memory_space<vmem_shared>>) target(%dma_start3A_15 : memref<640x32xf32, #tpu.memory_space<hbm>>) target_semaphore(%run_scoped3A : memref<!tpu.dma_semaphore, #tpu.memory_space<semaphore_mem>>)
      %dma_wait3A = arith.constant 0 : i32
      %dma_wait3A_18 = tpu.memref_slice %arg6[%arg0, %mul3A_13, %dma_wait3A] : memref<2x10240x32xf32, #tpu.memory_space<hbm>> -> memref<1x640x32xf32, #tpu.memory_space<hbm>>
      %dma_wait3A_19 = tpu.memref_squeeze %dma_wait3A_18 : memref<1x640x32xf32, #tpu.memory_space<hbm>> -> memref<640x32xf32, #tpu.memory_space<hbm>>
      %dma_wait3A_20 = arith.constant 0 : i32
      %dma_wait3A_21 = tpu.memref_slice %arg10[%mul3A_11, %dma_wait3A_20] : memref<10240x32xf32, #tpu.memory_space<vmem_shared>> -> memref<640x32xf32, #tpu.memory_space<vmem_shared>>
      tpu.wait_dma2 semaphore(%run_scoped3A : memref<!tpu.dma_semaphore, #tpu.memory_space<semaphore_mem>>) src(%dma_wait3A_21 : memref<640x32xf32, #tpu.memory_space<vmem_shared>>) dst(%dma_wait3A_19 : memref<640x32xf32, #tpu.memory_space<hbm>>)
      tpu.yield
    }) : () -> ()
    return
  }
}

#map = affine_map<(d0, d1) -> (0, 0)>
#map1 = affine_map<(d0, d1) -> (0, 0, 0)>
module attributes {stable_mosaic.version = 14 : i64} {
  func.func @k(%arg0: i32, %arg1: i32, %arg2: memref<10000x32xf32, #tpu.memory_space<hbm>>, %arg3: memref<32x80x128xi32, #tpu.memory_space<hbm>>, %arg4: memref<32x80x128xi32, #tpu.memory_space<hbm>>, %arg5: memref<640x32xf32, #tpu.memory_space<hbm>>, %arg6: memref<2x10240x32xf32, #tpu.memory_space<hbm>>, %arg7: memref<80x128xi32, #tpu.memory_space<vmem>>, %arg8: memref<80x128xi32, #tpu.memory_space<vmem>>, %arg9: memref<8x128x32xf32, #tpu.memory_space<vmem>>, %arg10: memref<10240x32xf32, #tpu.memory_space<vmem_shared>>, %arg11: memref<!tpu.dma_semaphore, #tpu.memory_space<semaphore_mem>>, %arg12: memref<!tpu.dma_semaphore, #tpu.memory_space<semaphore_mem>>) attributes {dimension_semantics = [#tpu.dimension_semantics<core_parallel>, #tpu.dimension_semantics<subcore_parallel>], iteration_bounds = array<i64: 2, 16>, scalar_prefetch = 0 : i64, scratch_operands = 6 : i64, tpu.core_type = #tpu.core_type<sc_vector_subcore>, window_params = [{transform_indices = #map}, {transform_indices = #map1}, {transform_indices = #map1}, {transform_indices = #map}, {transform_indices = #map1}]} {
    %mul3A = arith.constant 2 : i32
    %mul3A_0 = arith.muli %arg1, %mul3A : i32
    %add3A = arith.addi %mul3A_0, %arg0 : i32
    "tpu.region"() ({
      %run_scoped3A = tpu.sem_alloc : memref<!tpu.dma_semaphore, #tpu.memory_space<semaphore_mem>>
      %dma_start3A = arith.constant 0 : i32
      %dma_start3A_14 = arith.constant 0 : i32
      %dma_start3A_15 = tpu.memref_slice %arg3[%add3A, %dma_start3A, %dma_start3A_14] : memref<32x80x128xi32, #tpu.memory_space<hbm>> -> memref<1x80x128xi32, #tpu.memory_space<hbm>>
      %dma_start3A_16 = tpu.memref_squeeze %dma_start3A_15 : memref<1x80x128xi32, #tpu.memory_space<hbm>> -> memref<80x128xi32, #tpu.memory_space<hbm>>
      %dma_start3A_17 = arith.constant 0 : i32
      %dma_start3A_18 = arith.constant 0 : i32
      %dma_start3A_19 = tpu.memref_slice %arg3[%add3A, %dma_start3A_17, %dma_start3A_18] : memref<32x80x128xi32, #tpu.memory_space<hbm>> -> memref<1x80x128xi32, #tpu.memory_space<hbm>>
      %dma_start3A_20 = tpu.memref_squeeze %dma_start3A_19 : memref<1x80x128xi32, #tpu.memory_space<hbm>> -> memref<80x128xi32, #tpu.memory_space<hbm>>
      tpu.enqueue_dma source(%dma_start3A_20 : memref<80x128xi32, #tpu.memory_space<hbm>>) target(%arg7 : memref<80x128xi32, #tpu.memory_space<vmem>>) target_semaphore(%run_scoped3A : memref<!tpu.dma_semaphore, #tpu.memory_space<semaphore_mem>>)
      %dma_wait3A = arith.constant 0 : i32
      %dma_wait3A_21 = arith.constant 0 : i32
      %dma_wait3A_22 = tpu.memref_slice %arg3[%add3A, %dma_wait3A, %dma_wait3A_21] : memref<32x80x128xi32, #tpu.memory_space<hbm>> -> memref<1x80x128xi32, #tpu.memory_space<hbm>>
      %dma_wait3A_23 = tpu.memref_squeeze %dma_wait3A_22 : memref<1x80x128xi32, #tpu.memory_space<hbm>> -> memref<80x128xi32, #tpu.memory_space<hbm>>
      %dma_wait3A_24 = arith.constant 0 : i32
      %dma_wait3A_25 = arith.constant 0 : i32
      %dma_wait3A_26 = tpu.memref_slice %arg3[%add3A, %dma_wait3A_24, %dma_wait3A_25] : memref<32x80x128xi32, #tpu.memory_space<hbm>> -> memref<1x80x128xi32, #tpu.memory_space<hbm>>
      %dma_wait3A_27 = tpu.memref_squeeze %dma_wait3A_26 : memref<1x80x128xi32, #tpu.memory_space<hbm>> -> memref<80x128xi32, #tpu.memory_space<hbm>>
      tpu.wait_dma2 semaphore(%run_scoped3A : memref<!tpu.dma_semaphore, #tpu.memory_space<semaphore_mem>>) src(%dma_wait3A_27 : memref<80x128xi32, #tpu.memory_space<hbm>>) dst(%arg7 : memref<80x128xi32, #tpu.memory_space<vmem>>)
      tpu.yield
    }) : () -> ()
    "tpu.region"() ({
      %run_scoped3A = tpu.sem_alloc : memref<!tpu.dma_semaphore, #tpu.memory_space<semaphore_mem>>
      %dma_start3A = arith.constant 0 : i32
      %dma_start3A_14 = arith.constant 0 : i32
      %dma_start3A_15 = tpu.memref_slice %arg4[%add3A, %dma_start3A, %dma_start3A_14] : memref<32x80x128xi32, #tpu.memory_space<hbm>> -> memref<1x80x128xi32, #tpu.memory_space<hbm>>
      %dma_start3A_16 = tpu.memref_squeeze %dma_start3A_15 : memref<1x80x128xi32, #tpu.memory_space<hbm>> -> memref<80x128xi32, #tpu.memory_space<hbm>>
      %dma_start3A_17 = arith.constant 0 : i32
      %dma_start3A_18 = arith.constant 0 : i32
      %dma_start3A_19 = tpu.memref_slice %arg4[%add3A, %dma_start3A_17, %dma_start3A_18] : memref<32x80x128xi32, #tpu.memory_space<hbm>> -> memref<1x80x128xi32, #tpu.memory_space<hbm>>
      %dma_start3A_20 = tpu.memref_squeeze %dma_start3A_19 : memref<1x80x128xi32, #tpu.memory_space<hbm>> -> memref<80x128xi32, #tpu.memory_space<hbm>>
      tpu.enqueue_dma source(%dma_start3A_20 : memref<80x128xi32, #tpu.memory_space<hbm>>) target(%arg8 : memref<80x128xi32, #tpu.memory_space<vmem>>) target_semaphore(%run_scoped3A : memref<!tpu.dma_semaphore, #tpu.memory_space<semaphore_mem>>)
      %dma_wait3A = arith.constant 0 : i32
      %dma_wait3A_21 = arith.constant 0 : i32
      %dma_wait3A_22 = tpu.memref_slice %arg4[%add3A, %dma_wait3A, %dma_wait3A_21] : memref<32x80x128xi32, #tpu.memory_space<hbm>> -> memref<1x80x128xi32, #tpu.memory_space<hbm>>
      %dma_wait3A_23 = tpu.memref_squeeze %dma_wait3A_22 : memref<1x80x128xi32, #tpu.memory_space<hbm>> -> memref<80x128xi32, #tpu.memory_space<hbm>>
      %dma_wait3A_24 = arith.constant 0 : i32
      %dma_wait3A_25 = arith.constant 0 : i32
      %dma_wait3A_26 = tpu.memref_slice %arg4[%add3A, %dma_wait3A_24, %dma_wait3A_25] : memref<32x80x128xi32, #tpu.memory_space<hbm>> -> memref<1x80x128xi32, #tpu.memory_space<hbm>>
      %dma_wait3A_27 = tpu.memref_squeeze %dma_wait3A_26 : memref<1x80x128xi32, #tpu.memory_space<hbm>> -> memref<80x128xi32, #tpu.memory_space<hbm>>
      tpu.wait_dma2 semaphore(%run_scoped3A : memref<!tpu.dma_semaphore, #tpu.memory_space<semaphore_mem>>) src(%dma_wait3A_27 : memref<80x128xi32, #tpu.memory_space<hbm>>) dst(%arg8 : memref<80x128xi32, #tpu.memory_space<vmem>>)
      tpu.yield
    }) : () -> ()
    %mul3A_1 = arith.constant 640 : i32
    %mul3A_2 = arith.muli %arg1, %mul3A_1 : i32
    "tpu.region"() ({
      %run_scoped3A = tpu.sem_alloc : memref<!tpu.dma_semaphore, #tpu.memory_space<semaphore_mem>>
      %dma_start3A = arith.constant 0 : i32
      %dma_start3A_14 = tpu.memref_slice %arg10[%mul3A_2, %dma_start3A] : memref<10240x32xf32, #tpu.memory_space<vmem_shared>> -> memref<640x32xf32, #tpu.memory_space<vmem_shared>>
      tpu.enqueue_dma source(%arg5 : memref<640x32xf32, #tpu.memory_space<hbm>>) target(%dma_start3A_14 : memref<640x32xf32, #tpu.memory_space<vmem_shared>>) target_semaphore(%run_scoped3A : memref<!tpu.dma_semaphore, #tpu.memory_space<semaphore_mem>>)
      %dma_wait3A = arith.constant 0 : i32
      %dma_wait3A_15 = tpu.memref_slice %arg10[%mul3A_2, %dma_wait3A] : memref<10240x32xf32, #tpu.memory_space<vmem_shared>> -> memref<640x32xf32, #tpu.memory_space<vmem_shared>>
      tpu.wait_dma2 semaphore(%run_scoped3A : memref<!tpu.dma_semaphore, #tpu.memory_space<semaphore_mem>>) src(%arg5 : memref<640x32xf32, #tpu.memory_space<hbm>>) dst(%dma_wait3A_15 : memref<640x32xf32, #tpu.memory_space<vmem_shared>>)
      tpu.yield
    }) : () -> ()
    %barrier3A = arith.constant 0 : index
    tpu.barrier barrier_id(%barrier3A)
    %scan3A = arith.constant 0 : i32
    %scan3A_3 = arith.constant 0 : i32
    %scan3A_4 = arith.constant 10 : i32
    %scan3A_5 = arith.addi %scan3A_3, %scan3A_4 : i32
    %scan3A_6 = arith.constant 1 : i32
    %scan3A_7 = scf.for %scan3A_14 = %scan3A_3 to %scan3A_5 step %scan3A_6 iter_args(%scan3A_15 = %scan3A) -> (i32)  : i32 {
      %add3A_16 = arith.constant 0 : i32
      %add3A_17 = arith.addi %scan3A_15, %add3A_16 : i32
      %dma_start3A = arith.constant 0 : i32
      %dma_start3A_18 = arith.constant 0 : i32
      %dma_start3A_19 = arith.constant 0 : i32
      %dma_start3A_20 = tpu.memref_slice %arg9[%dma_start3A, %dma_start3A_18, %dma_start3A_19] : memref<8x128x32xf32, #tpu.memory_space<vmem>> -> memref<1x128x32xf32, #tpu.memory_space<vmem>>
      %dma_start3A_21 = tpu.memref_squeeze %dma_start3A_20 : memref<1x128x32xf32, #tpu.memory_space<vmem>> -> memref<128x32xf32, #tpu.memory_space<vmem>>
      %dma_start3A_22 = arith.constant 0 : i32
      %dma_start3A_23 = tpu.memref_slice %arg7[%add3A_17, %dma_start3A_22] : memref<80x128xi32, #tpu.memory_space<vmem>> -> memref<1x128xi32, #tpu.memory_space<vmem>>
      %dma_start3A_24 = tpu.memref_squeeze %dma_start3A_23 : memref<1x128xi32, #tpu.memory_space<vmem>> -> memref<128xi32, #tpu.memory_space<vmem>>
      %dma_start3A_25 = arith.constant 0 : i32
      %dma_start3A_26 = arith.constant 0 : i32
      %dma_start3A_27 = tpu.memref_slice %arg2[%dma_start3A_25, %dma_start3A_26] : memref<10000x32xf32, #tpu.memory_space<hbm>> -> memref<10000x32xf32, #tpu.memory_space<hbm>>
      tpu.enqueue_indirect_dma source(%dma_start3A_27 : memref<10000x32xf32, #tpu.memory_space<hbm>>) target(%dma_start3A_21 : memref<128x32xf32, #tpu.memory_space<vmem>>) offsets(%dma_start3A_24 : memref<128xi32, #tpu.memory_space<vmem>>) semaphore(%arg11 : memref<!tpu.dma_semaphore, #tpu.memory_space<semaphore_mem>>)
      %add3A_28 = arith.constant 1 : i32
      %add3A_29 = arith.addi %scan3A_15, %add3A_28 : i32
      %dma_start3A_30 = arith.constant 1 : i32
      %dma_start3A_31 = arith.constant 0 : i32
      %dma_start3A_32 = arith.constant 0 : i32
      %dma_start3A_33 = tpu.memref_slice %arg9[%dma_start3A_30, %dma_start3A_31, %dma_start3A_32] : memref<8x128x32xf32, #tpu.memory_space<vmem>> -> memref<1x128x32xf32, #tpu.memory_space<vmem>>
      %dma_start3A_34 = tpu.memref_squeeze %dma_start3A_33 : memref<1x128x32xf32, #tpu.memory_space<vmem>> -> memref<128x32xf32, #tpu.memory_space<vmem>>
      %dma_start3A_35 = arith.constant 0 : i32
      %dma_start3A_36 = tpu.memref_slice %arg7[%add3A_29, %dma_start3A_35] : memref<80x128xi32, #tpu.memory_space<vmem>> -> memref<1x128xi32, #tpu.memory_space<vmem>>
      %dma_start3A_37 = tpu.memref_squeeze %dma_start3A_36 : memref<1x128xi32, #tpu.memory_space<vmem>> -> memref<128xi32, #tpu.memory_space<vmem>>
      %dma_start3A_38 = arith.constant 0 : i32
      %dma_start3A_39 = arith.constant 0 : i32
      %dma_start3A_40 = tpu.memref_slice %arg2[%dma_start3A_38, %dma_start3A_39] : memref<10000x32xf32, #tpu.memory_space<hbm>> -> memref<10000x32xf32, #tpu.memory_space<hbm>>
      tpu.enqueue_indirect_dma source(%dma_start3A_40 : memref<10000x32xf32, #tpu.memory_space<hbm>>) target(%dma_start3A_34 : memref<128x32xf32, #tpu.memory_space<vmem>>) offsets(%dma_start3A_37 : memref<128xi32, #tpu.memory_space<vmem>>) semaphore(%arg11 : memref<!tpu.dma_semaphore, #tpu.memory_space<semaphore_mem>>)
      %add3A_41 = arith.constant 2 : i32
      %add3A_42 = arith.addi %scan3A_15, %add3A_41 : i32
      %dma_start3A_43 = arith.constant 2 : i32
      %dma_start3A_44 = arith.constant 0 : i32
      %dma_start3A_45 = arith.constant 0 : i32
      %dma_start3A_46 = tpu.memref_slice %arg9[%dma_start3A_43, %dma_start3A_44, %dma_start3A_45] : memref<8x128x32xf32, #tpu.memory_space<vmem>> -> memref<1x128x32xf32, #tpu.memory_space<vmem>>
      %dma_start3A_47 = tpu.memref_squeeze %dma_start3A_46 : memref<1x128x32xf32, #tpu.memory_space<vmem>> -> memref<128x32xf32, #tpu.memory_space<vmem>>
      %dma_start3A_48 = arith.constant 0 : i32
      %dma_start3A_49 = tpu.memref_slice %arg7[%add3A_42, %dma_start3A_48] : memref<80x128xi32, #tpu.memory_space<vmem>> -> memref<1x128xi32, #tpu.memory_space<vmem>>
      %dma_start3A_50 = tpu.memref_squeeze %dma_start3A_49 : memref<1x128xi32, #tpu.memory_space<vmem>> -> memref<128xi32, #tpu.memory_space<vmem>>
      %dma_start3A_51 = arith.constant 0 : i32
      %dma_start3A_52 = arith.constant 0 : i32
      %dma_start3A_53 = tpu.memref_slice %arg2[%dma_start3A_51, %dma_start3A_52] : memref<10000x32xf32, #tpu.memory_space<hbm>> -> memref<10000x32xf32, #tpu.memory_space<hbm>>
      tpu.enqueue_indirect_dma source(%dma_start3A_53 : memref<10000x32xf32, #tpu.memory_space<hbm>>) target(%dma_start3A_47 : memref<128x32xf32, #tpu.memory_space<vmem>>) offsets(%dma_start3A_50 : memref<128xi32, #tpu.memory_space<vmem>>) semaphore(%arg11 : memref<!tpu.dma_semaphore, #tpu.memory_space<semaphore_mem>>)
      %add3A_54 = arith.constant 3 : i32
      %add3A_55 = arith.addi %scan3A_15, %add3A_54 : i32
      %dma_start3A_56 = arith.constant 3 : i32
      %dma_start3A_57 = arith.constant 0 : i32
      %dma_start3A_58 = arith.constant 0 : i32
      %dma_start3A_59 = tpu.memref_slice %arg9[%dma_start3A_56, %dma_start3A_57, %dma_start3A_58] : memref<8x128x32xf32, #tpu.memory_space<vmem>> -> memref<1x128x32xf32, #tpu.memory_space<vmem>>
      %dma_start3A_60 = tpu.memref_squeeze %dma_start3A_59 : memref<1x128x32xf32, #tpu.memory_space<vmem>> -> memref<128x32xf32, #tpu.memory_space<vmem>>
      %dma_start3A_61 = arith.constant 0 : i32
      %dma_start3A_62 = tpu.memref_slice %arg7[%add3A_55, %dma_start3A_61] : memref<80x128xi32, #tpu.memory_space<vmem>> -> memref<1x128xi32, #tpu.memory_space<vmem>>
      %dma_start3A_63 = tpu.memref_squeeze %dma_start3A_62 : memref<1x128xi32, #tpu.memory_space<vmem>> -> memref<128xi32, #tpu.memory_space<vmem>>
      %dma_start3A_64 = arith.constant 0 : i32
      %dma_start3A_65 = arith.constant 0 : i32
      %dma_start3A_66 = tpu.memref_slice %arg2[%dma_start3A_64, %dma_start3A_65] : memref<10000x32xf32, #tpu.memory_space<hbm>> -> memref<10000x32xf32, #tpu.memory_space<hbm>>
      tpu.enqueue_indirect_dma source(%dma_start3A_66 : memref<10000x32xf32, #tpu.memory_space<hbm>>) target(%dma_start3A_60 : memref<128x32xf32, #tpu.memory_space<vmem>>) offsets(%dma_start3A_63 : memref<128xi32, #tpu.memory_space<vmem>>) semaphore(%arg11 : memref<!tpu.dma_semaphore, #tpu.memory_space<semaphore_mem>>)
      %add3A_67 = arith.constant 4 : i32
      %add3A_68 = arith.addi %scan3A_15, %add3A_67 : i32
      %dma_start3A_69 = arith.constant 4 : i32
      %dma_start3A_70 = arith.constant 0 : i32
      %dma_start3A_71 = arith.constant 0 : i32
      %dma_start3A_72 = tpu.memref_slice %arg9[%dma_start3A_69, %dma_start3A_70, %dma_start3A_71] : memref<8x128x32xf32, #tpu.memory_space<vmem>> -> memref<1x128x32xf32, #tpu.memory_space<vmem>>
      %dma_start3A_73 = tpu.memref_squeeze %dma_start3A_72 : memref<1x128x32xf32, #tpu.memory_space<vmem>> -> memref<128x32xf32, #tpu.memory_space<vmem>>
      %dma_start3A_74 = arith.constant 0 : i32
      %dma_start3A_75 = tpu.memref_slice %arg7[%add3A_68, %dma_start3A_74] : memref<80x128xi32, #tpu.memory_space<vmem>> -> memref<1x128xi32, #tpu.memory_space<vmem>>
      %dma_start3A_76 = tpu.memref_squeeze %dma_start3A_75 : memref<1x128xi32, #tpu.memory_space<vmem>> -> memref<128xi32, #tpu.memory_space<vmem>>
      %dma_start3A_77 = arith.constant 0 : i32
      %dma_start3A_78 = arith.constant 0 : i32
      %dma_start3A_79 = tpu.memref_slice %arg2[%dma_start3A_77, %dma_start3A_78] : memref<10000x32xf32, #tpu.memory_space<hbm>> -> memref<10000x32xf32, #tpu.memory_space<hbm>>
      tpu.enqueue_indirect_dma source(%dma_start3A_79 : memref<10000x32xf32, #tpu.memory_space<hbm>>) target(%dma_start3A_73 : memref<128x32xf32, #tpu.memory_space<vmem>>) offsets(%dma_start3A_76 : memref<128xi32, #tpu.memory_space<vmem>>) semaphore(%arg11 : memref<!tpu.dma_semaphore, #tpu.memory_space<semaphore_mem>>)
      %add3A_80 = arith.constant 5 : i32
      %add3A_81 = arith.addi %scan3A_15, %add3A_80 : i32
      %dma_start3A_82 = arith.constant 5 : i32
      %dma_start3A_83 = arith.constant 0 : i32
      %dma_start3A_84 = arith.constant 0 : i32
      %dma_start3A_85 = tpu.memref_slice %arg9[%dma_start3A_82, %dma_start3A_83, %dma_start3A_84] : memref<8x128x32xf32, #tpu.memory_space<vmem>> -> memref<1x128x32xf32, #tpu.memory_space<vmem>>
      %dma_start3A_86 = tpu.memref_squeeze %dma_start3A_85 : memref<1x128x32xf32, #tpu.memory_space<vmem>> -> memref<128x32xf32, #tpu.memory_space<vmem>>
      %dma_start3A_87 = arith.constant 0 : i32
      %dma_start3A_88 = tpu.memref_slice %arg7[%add3A_81, %dma_start3A_87] : memref<80x128xi32, #tpu.memory_space<vmem>> -> memref<1x128xi32, #tpu.memory_space<vmem>>
      %dma_start3A_89 = tpu.memref_squeeze %dma_start3A_88 : memref<1x128xi32, #tpu.memory_space<vmem>> -> memref<128xi32, #tpu.memory_space<vmem>>
      %dma_start3A_90 = arith.constant 0 : i32
      %dma_start3A_91 = arith.constant 0 : i32
      %dma_start3A_92 = tpu.memref_slice %arg2[%dma_start3A_90, %dma_start3A_91] : memref<10000x32xf32, #tpu.memory_space<hbm>> -> memref<10000x32xf32, #tpu.memory_space<hbm>>
      tpu.enqueue_indirect_dma source(%dma_start3A_92 : memref<10000x32xf32, #tpu.memory_space<hbm>>) target(%dma_start3A_86 : memref<128x32xf32, #tpu.memory_space<vmem>>) offsets(%dma_start3A_89 : memref<128xi32, #tpu.memory_space<vmem>>) semaphore(%arg11 : memref<!tpu.dma_semaphore, #tpu.memory_space<semaphore_mem>>)
      %add3A_93 = arith.constant 6 : i32
      %add3A_94 = arith.addi %scan3A_15, %add3A_93 : i32
      %dma_start3A_95 = arith.constant 6 : i32
      %dma_start3A_96 = arith.constant 0 : i32
      %dma_start3A_97 = arith.constant 0 : i32
      %dma_start3A_98 = tpu.memref_slice %arg9[%dma_start3A_95, %dma_start3A_96, %dma_start3A_97] : memref<8x128x32xf32, #tpu.memory_space<vmem>> -> memref<1x128x32xf32, #tpu.memory_space<vmem>>
      %dma_start3A_99 = tpu.memref_squeeze %dma_start3A_98 : memref<1x128x32xf32, #tpu.memory_space<vmem>> -> memref<128x32xf32, #tpu.memory_space<vmem>>
      %dma_start3A_100 = arith.constant 0 : i32
      %dma_start3A_101 = tpu.memref_slice %arg7[%add3A_94, %dma_start3A_100] : memref<80x128xi32, #tpu.memory_space<vmem>> -> memref<1x128xi32, #tpu.memory_space<vmem>>
      %dma_start3A_102 = tpu.memref_squeeze %dma_start3A_101 : memref<1x128xi32, #tpu.memory_space<vmem>> -> memref<128xi32, #tpu.memory_space<vmem>>
      %dma_start3A_103 = arith.constant 0 : i32
      %dma_start3A_104 = arith.constant 0 : i32
      %dma_start3A_105 = tpu.memref_slice %arg2[%dma_start3A_103, %dma_start3A_104] : memref<10000x32xf32, #tpu.memory_space<hbm>> -> memref<10000x32xf32, #tpu.memory_space<hbm>>
      tpu.enqueue_indirect_dma source(%dma_start3A_105 : memref<10000x32xf32, #tpu.memory_space<hbm>>) target(%dma_start3A_99 : memref<128x32xf32, #tpu.memory_space<vmem>>) offsets(%dma_start3A_102 : memref<128xi32, #tpu.memory_space<vmem>>) semaphore(%arg11 : memref<!tpu.dma_semaphore, #tpu.memory_space<semaphore_mem>>)
      %add3A_106 = arith.constant 7 : i32
      %add3A_107 = arith.addi %scan3A_15, %add3A_106 : i32
      %dma_start3A_108 = arith.constant 7 : i32
      %dma_start3A_109 = arith.constant 0 : i32
      %dma_start3A_110 = arith.constant 0 : i32
      %dma_start3A_111 = tpu.memref_slice %arg9[%dma_start3A_108, %dma_start3A_109, %dma_start3A_110] : memref<8x128x32xf32, #tpu.memory_space<vmem>> -> memref<1x128x32xf32, #tpu.memory_space<vmem>>
      %dma_start3A_112 = tpu.memref_squeeze %dma_start3A_111 : memref<1x128x32xf32, #tpu.memory_space<vmem>> -> memref<128x32xf32, #tpu.memory_space<vmem>>
      %dma_start3A_113 = arith.constant 0 : i32
      %dma_start3A_114 = tpu.memref_slice %arg7[%add3A_107, %dma_start3A_113] : memref<80x128xi32, #tpu.memory_space<vmem>> -> memref<1x128xi32, #tpu.memory_space<vmem>>
      %dma_start3A_115 = tpu.memref_squeeze %dma_start3A_114 : memref<1x128xi32, #tpu.memory_space<vmem>> -> memref<128xi32, #tpu.memory_space<vmem>>
      %dma_start3A_116 = arith.constant 0 : i32
      %dma_start3A_117 = arith.constant 0 : i32
      %dma_start3A_118 = tpu.memref_slice %arg2[%dma_start3A_116, %dma_start3A_117] : memref<10000x32xf32, #tpu.memory_space<hbm>> -> memref<10000x32xf32, #tpu.memory_space<hbm>>
      tpu.enqueue_indirect_dma source(%dma_start3A_118 : memref<10000x32xf32, #tpu.memory_space<hbm>>) target(%dma_start3A_112 : memref<128x32xf32, #tpu.memory_space<vmem>>) offsets(%dma_start3A_115 : memref<128xi32, #tpu.memory_space<vmem>>) semaphore(%arg11 : memref<!tpu.dma_semaphore, #tpu.memory_space<semaphore_mem>>)
      %dma_wait3A = arith.constant 0 : i32
      %dma_wait3A_119 = arith.constant 0 : i32
      %dma_wait3A_120 = arith.constant 0 : i32
      %dma_wait3A_121 = tpu.memref_slice %arg9[%dma_wait3A, %dma_wait3A_119, %dma_wait3A_120] : memref<8x128x32xf32, #tpu.memory_space<vmem>> -> memref<1x128x32xf32, #tpu.memory_space<vmem>>
      %dma_wait3A_122 = tpu.memref_squeeze %dma_wait3A_121 : memref<1x128x32xf32, #tpu.memory_space<vmem>> -> memref<128x32xf32, #tpu.memory_space<vmem>>
      %dma_wait3A_123 = arith.constant 0 : i32
      %dma_wait3A_124 = tpu.memref_slice %arg7[%add3A_17, %dma_wait3A_123] : memref<80x128xi32, #tpu.memory_space<vmem>> -> memref<1x128xi32, #tpu.memory_space<vmem>>
      %dma_wait3A_125 = tpu.memref_squeeze %dma_wait3A_124 : memref<1x128xi32, #tpu.memory_space<vmem>> -> memref<128xi32, #tpu.memory_space<vmem>>
      %dma_wait3A_126 = arith.constant 0 : i32
      %dma_wait3A_127 = arith.constant 0 : i32
      %dma_wait3A_128 = tpu.memref_slice %arg2[%dma_wait3A_126, %dma_wait3A_127] : memref<10000x32xf32, #tpu.memory_space<hbm>> -> memref<10000x32xf32, #tpu.memory_space<hbm>>
      tpu.wait_indirect_dma semaphore(%arg11 : memref<!tpu.dma_semaphore, #tpu.memory_space<semaphore_mem>>) src(%dma_wait3A_128 : memref<10000x32xf32, #tpu.memory_space<hbm>>) dst(%dma_wait3A_122 : memref<128x32xf32, #tpu.memory_space<vmem>>)
      %add3A_129 = arith.constant 0 : i32
      %add3A_130 = arith.addi %scan3A_15, %add3A_129 : i32
      %dma_start3A_131 = arith.constant 0 : i32
      %dma_start3A_132 = arith.constant 0 : i32
      %dma_start3A_133 = arith.constant 0 : i32
      %dma_start3A_134 = tpu.memref_slice %arg9[%dma_start3A_131, %dma_start3A_132, %dma_start3A_133] : memref<8x128x32xf32, #tpu.memory_space<vmem>> -> memref<1x128x32xf32, #tpu.memory_space<vmem>>
      %dma_start3A_135 = tpu.memref_squeeze %dma_start3A_134 : memref<1x128x32xf32, #tpu.memory_space<vmem>> -> memref<128x32xf32, #tpu.memory_space<vmem>>
      %dma_start3A_136 = arith.constant 0 : i32
      %dma_start3A_137 = tpu.memref_slice %arg8[%add3A_130, %dma_start3A_136] : memref<80x128xi32, #tpu.memory_space<vmem>> -> memref<1x128xi32, #tpu.memory_space<vmem>>
      %dma_start3A_138 = tpu.memref_squeeze %dma_start3A_137 : memref<1x128xi32, #tpu.memory_space<vmem>> -> memref<128xi32, #tpu.memory_space<vmem>>
      %dma_start3A_139 = arith.constant 0 : i32
      %dma_start3A_140 = arith.constant 0 : i32
      %dma_start3A_141 = tpu.memref_slice %arg10[%dma_start3A_139, %dma_start3A_140] : memref<10240x32xf32, #tpu.memory_space<vmem_shared>> -> memref<10240x32xf32, #tpu.memory_space<vmem_shared>>
      tpu.enqueue_indirect_dma source(%dma_start3A_135 : memref<128x32xf32, #tpu.memory_space<vmem>>) target(%dma_start3A_141 : memref<10240x32xf32, #tpu.memory_space<vmem_shared>>) offsets(%dma_start3A_138 : memref<128xi32, #tpu.memory_space<vmem>>) semaphore(%arg12 : memref<!tpu.dma_semaphore, #tpu.memory_space<semaphore_mem>>) {add = true}
      %dma_wait3A_142 = arith.constant 1 : i32
      %dma_wait3A_143 = arith.constant 0 : i32
      %dma_wait3A_144 = arith.constant 0 : i32
      %dma_wait3A_145 = tpu.memref_slice %arg9[%dma_wait3A_142, %dma_wait3A_143, %dma_wait3A_144] : memref<8x128x32xf32, #tpu.memory_space<vmem>> -> memref<1x128x32xf32, #tpu.memory_space<vmem>>
      %dma_wait3A_146 = tpu.memref_squeeze %dma_wait3A_145 : memref<1x128x32xf32, #tpu.memory_space<vmem>> -> memref<128x32xf32, #tpu.memory_space<vmem>>
      %dma_wait3A_147 = arith.constant 0 : i32
      %dma_wait3A_148 = tpu.memref_slice %arg7[%add3A_29, %dma_wait3A_147] : memref<80x128xi32, #tpu.memory_space<vmem>> -> memref<1x128xi32, #tpu.memory_space<vmem>>
      %dma_wait3A_149 = tpu.memref_squeeze %dma_wait3A_148 : memref<1x128xi32, #tpu.memory_space<vmem>> -> memref<128xi32, #tpu.memory_space<vmem>>
      %dma_wait3A_150 = arith.constant 0 : i32
      %dma_wait3A_151 = arith.constant 0 : i32
      %dma_wait3A_152 = tpu.memref_slice %arg2[%dma_wait3A_150, %dma_wait3A_151] : memref<10000x32xf32, #tpu.memory_space<hbm>> -> memref<10000x32xf32, #tpu.memory_space<hbm>>
      tpu.wait_indirect_dma semaphore(%arg11 : memref<!tpu.dma_semaphore, #tpu.memory_space<semaphore_mem>>) src(%dma_wait3A_152 : memref<10000x32xf32, #tpu.memory_space<hbm>>) dst(%dma_wait3A_146 : memref<128x32xf32, #tpu.memory_space<vmem>>)
      %add3A_153 = arith.constant 1 : i32
      %add3A_154 = arith.addi %scan3A_15, %add3A_153 : i32
      %dma_start3A_155 = arith.constant 1 : i32
      %dma_start3A_156 = arith.constant 0 : i32
      %dma_start3A_157 = arith.constant 0 : i32
      %dma_start3A_158 = tpu.memref_slice %arg9[%dma_start3A_155, %dma_start3A_156, %dma_start3A_157] : memref<8x128x32xf32, #tpu.memory_space<vmem>> -> memref<1x128x32xf32, #tpu.memory_space<vmem>>
      %dma_start3A_159 = tpu.memref_squeeze %dma_start3A_158 : memref<1x128x32xf32, #tpu.memory_space<vmem>> -> memref<128x32xf32, #tpu.memory_space<vmem>>
      %dma_start3A_160 = arith.constant 0 : i32
      %dma_start3A_161 = tpu.memref_slice %arg8[%add3A_154, %dma_start3A_160] : memref<80x128xi32, #tpu.memory_space<vmem>> -> memref<1x128xi32, #tpu.memory_space<vmem>>
      %dma_start3A_162 = tpu.memref_squeeze %dma_start3A_161 : memref<1x128xi32, #tpu.memory_space<vmem>> -> memref<128xi32, #tpu.memory_space<vmem>>
      %dma_start3A_163 = arith.constant 0 : i32
      %dma_start3A_164 = arith.constant 0 : i32
      %dma_start3A_165 = tpu.memref_slice %arg10[%dma_start3A_163, %dma_start3A_164] : memref<10240x32xf32, #tpu.memory_space<vmem_shared>> -> memref<10240x32xf32, #tpu.memory_space<vmem_shared>>
      tpu.enqueue_indirect_dma source(%dma_start3A_159 : memref<128x32xf32, #tpu.memory_space<vmem>>) target(%dma_start3A_165 : memref<10240x32xf32, #tpu.memory_space<vmem_shared>>) offsets(%dma_start3A_162 : memref<128xi32, #tpu.memory_space<vmem>>) semaphore(%arg12 : memref<!tpu.dma_semaphore, #tpu.memory_space<semaphore_mem>>) {add = true}
      %dma_wait3A_166 = arith.constant 2 : i32
      %dma_wait3A_167 = arith.constant 0 : i32
      %dma_wait3A_168 = arith.constant 0 : i32
      %dma_wait3A_169 = tpu.memref_slice %arg9[%dma_wait3A_166, %dma_wait3A_167, %dma_wait3A_168] : memref<8x128x32xf32, #tpu.memory_space<vmem>> -> memref<1x128x32xf32, #tpu.memory_space<vmem>>
      %dma_wait3A_170 = tpu.memref_squeeze %dma_wait3A_169 : memref<1x128x32xf32, #tpu.memory_space<vmem>> -> memref<128x32xf32, #tpu.memory_space<vmem>>
      %dma_wait3A_171 = arith.constant 0 : i32
      %dma_wait3A_172 = tpu.memref_slice %arg7[%add3A_42, %dma_wait3A_171] : memref<80x128xi32, #tpu.memory_space<vmem>> -> memref<1x128xi32, #tpu.memory_space<vmem>>
      %dma_wait3A_173 = tpu.memref_squeeze %dma_wait3A_172 : memref<1x128xi32, #tpu.memory_space<vmem>> -> memref<128xi32, #tpu.memory_space<vmem>>
      %dma_wait3A_174 = arith.constant 0 : i32
      %dma_wait3A_175 = arith.constant 0 : i32
      %dma_wait3A_176 = tpu.memref_slice %arg2[%dma_wait3A_174, %dma_wait3A_175] : memref<10000x32xf32, #tpu.memory_space<hbm>> -> memref<10000x32xf32, #tpu.memory_space<hbm>>
      tpu.wait_indirect_dma semaphore(%arg11 : memref<!tpu.dma_semaphore, #tpu.memory_space<semaphore_mem>>) src(%dma_wait3A_176 : memref<10000x32xf32, #tpu.memory_space<hbm>>) dst(%dma_wait3A_170 : memref<128x32xf32, #tpu.memory_space<vmem>>)
      %add3A_177 = arith.constant 2 : i32
      %add3A_178 = arith.addi %scan3A_15, %add3A_177 : i32
      %dma_start3A_179 = arith.constant 2 : i32
      %dma_start3A_180 = arith.constant 0 : i32
      %dma_start3A_181 = arith.constant 0 : i32
      %dma_start3A_182 = tpu.memref_slice %arg9[%dma_start3A_179, %dma_start3A_180, %dma_start3A_181] : memref<8x128x32xf32, #tpu.memory_space<vmem>> -> memref<1x128x32xf32, #tpu.memory_space<vmem>>
      %dma_start3A_183 = tpu.memref_squeeze %dma_start3A_182 : memref<1x128x32xf32, #tpu.memory_space<vmem>> -> memref<128x32xf32, #tpu.memory_space<vmem>>
      %dma_start3A_184 = arith.constant 0 : i32
      %dma_start3A_185 = tpu.memref_slice %arg8[%add3A_178, %dma_start3A_184] : memref<80x128xi32, #tpu.memory_space<vmem>> -> memref<1x128xi32, #tpu.memory_space<vmem>>
      %dma_start3A_186 = tpu.memref_squeeze %dma_start3A_185 : memref<1x128xi32, #tpu.memory_space<vmem>> -> memref<128xi32, #tpu.memory_space<vmem>>
      %dma_start3A_187 = arith.constant 0 : i32
      %dma_start3A_188 = arith.constant 0 : i32
      %dma_start3A_189 = tpu.memref_slice %arg10[%dma_start3A_187, %dma_start3A_188] : memref<10240x32xf32, #tpu.memory_space<vmem_shared>> -> memref<10240x32xf32, #tpu.memory_space<vmem_shared>>
      tpu.enqueue_indirect_dma source(%dma_start3A_183 : memref<128x32xf32, #tpu.memory_space<vmem>>) target(%dma_start3A_189 : memref<10240x32xf32, #tpu.memory_space<vmem_shared>>) offsets(%dma_start3A_186 : memref<128xi32, #tpu.memory_space<vmem>>) semaphore(%arg12 : memref<!tpu.dma_semaphore, #tpu.memory_space<semaphore_mem>>) {add = true}
      %dma_wait3A_190 = arith.constant 3 : i32
      %dma_wait3A_191 = arith.constant 0 : i32
      %dma_wait3A_192 = arith.constant 0 : i32
      %dma_wait3A_193 = tpu.memref_slice %arg9[%dma_wait3A_190, %dma_wait3A_191, %dma_wait3A_192] : memref<8x128x32xf32, #tpu.memory_space<vmem>> -> memref<1x128x32xf32, #tpu.memory_space<vmem>>
      %dma_wait3A_194 = tpu.memref_squeeze %dma_wait3A_193 : memref<1x128x32xf32, #tpu.memory_space<vmem>> -> memref<128x32xf32, #tpu.memory_space<vmem>>
      %dma_wait3A_195 = arith.constant 0 : i32
      %dma_wait3A_196 = tpu.memref_slice %arg7[%add3A_55, %dma_wait3A_195] : memref<80x128xi32, #tpu.memory_space<vmem>> -> memref<1x128xi32, #tpu.memory_space<vmem>>
      %dma_wait3A_197 = tpu.memref_squeeze %dma_wait3A_196 : memref<1x128xi32, #tpu.memory_space<vmem>> -> memref<128xi32, #tpu.memory_space<vmem>>
      %dma_wait3A_198 = arith.constant 0 : i32
      %dma_wait3A_199 = arith.constant 0 : i32
      %dma_wait3A_200 = tpu.memref_slice %arg2[%dma_wait3A_198, %dma_wait3A_199] : memref<10000x32xf32, #tpu.memory_space<hbm>> -> memref<10000x32xf32, #tpu.memory_space<hbm>>
      tpu.wait_indirect_dma semaphore(%arg11 : memref<!tpu.dma_semaphore, #tpu.memory_space<semaphore_mem>>) src(%dma_wait3A_200 : memref<10000x32xf32, #tpu.memory_space<hbm>>) dst(%dma_wait3A_194 : memref<128x32xf32, #tpu.memory_space<vmem>>)
      %add3A_201 = arith.constant 3 : i32
      %add3A_202 = arith.addi %scan3A_15, %add3A_201 : i32
      %dma_start3A_203 = arith.constant 3 : i32
      %dma_start3A_204 = arith.constant 0 : i32
      %dma_start3A_205 = arith.constant 0 : i32
      %dma_start3A_206 = tpu.memref_slice %arg9[%dma_start3A_203, %dma_start3A_204, %dma_start3A_205] : memref<8x128x32xf32, #tpu.memory_space<vmem>> -> memref<1x128x32xf32, #tpu.memory_space<vmem>>
      %dma_start3A_207 = tpu.memref_squeeze %dma_start3A_206 : memref<1x128x32xf32, #tpu.memory_space<vmem>> -> memref<128x32xf32, #tpu.memory_space<vmem>>
      %dma_start3A_208 = arith.constant 0 : i32
      %dma_start3A_209 = tpu.memref_slice %arg8[%add3A_202, %dma_start3A_208] : memref<80x128xi32, #tpu.memory_space<vmem>> -> memref<1x128xi32, #tpu.memory_space<vmem>>
      %dma_start3A_210 = tpu.memref_squeeze %dma_start3A_209 : memref<1x128xi32, #tpu.memory_space<vmem>> -> memref<128xi32, #tpu.memory_space<vmem>>
      %dma_start3A_211 = arith.constant 0 : i32
      %dma_start3A_212 = arith.constant 0 : i32
      %dma_start3A_213 = tpu.memref_slice %arg10[%dma_start3A_211, %dma_start3A_212] : memref<10240x32xf32, #tpu.memory_space<vmem_shared>> -> memref<10240x32xf32, #tpu.memory_space<vmem_shared>>
      tpu.enqueue_indirect_dma source(%dma_start3A_207 : memref<128x32xf32, #tpu.memory_space<vmem>>) target(%dma_start3A_213 : memref<10240x32xf32, #tpu.memory_space<vmem_shared>>) offsets(%dma_start3A_210 : memref<128xi32, #tpu.memory_space<vmem>>) semaphore(%arg12 : memref<!tpu.dma_semaphore, #tpu.memory_space<semaphore_mem>>) {add = true}
      %dma_wait3A_214 = arith.constant 4 : i32
      %dma_wait3A_215 = arith.constant 0 : i32
      %dma_wait3A_216 = arith.constant 0 : i32
      %dma_wait3A_217 = tpu.memref_slice %arg9[%dma_wait3A_214, %dma_wait3A_215, %dma_wait3A_216] : memref<8x128x32xf32, #tpu.memory_space<vmem>> -> memref<1x128x32xf32, #tpu.memory_space<vmem>>
      %dma_wait3A_218 = tpu.memref_squeeze %dma_wait3A_217 : memref<1x128x32xf32, #tpu.memory_space<vmem>> -> memref<128x32xf32, #tpu.memory_space<vmem>>
      %dma_wait3A_219 = arith.constant 0 : i32
      %dma_wait3A_220 = tpu.memref_slice %arg7[%add3A_68, %dma_wait3A_219] : memref<80x128xi32, #tpu.memory_space<vmem>> -> memref<1x128xi32, #tpu.memory_space<vmem>>
      %dma_wait3A_221 = tpu.memref_squeeze %dma_wait3A_220 : memref<1x128xi32, #tpu.memory_space<vmem>> -> memref<128xi32, #tpu.memory_space<vmem>>
      %dma_wait3A_222 = arith.constant 0 : i32
      %dma_wait3A_223 = arith.constant 0 : i32
      %dma_wait3A_224 = tpu.memref_slice %arg2[%dma_wait3A_222, %dma_wait3A_223] : memref<10000x32xf32, #tpu.memory_space<hbm>> -> memref<10000x32xf32, #tpu.memory_space<hbm>>
      tpu.wait_indirect_dma semaphore(%arg11 : memref<!tpu.dma_semaphore, #tpu.memory_space<semaphore_mem>>) src(%dma_wait3A_224 : memref<10000x32xf32, #tpu.memory_space<hbm>>) dst(%dma_wait3A_218 : memref<128x32xf32, #tpu.memory_space<vmem>>)
      %add3A_225 = arith.constant 4 : i32
      %add3A_226 = arith.addi %scan3A_15, %add3A_225 : i32
      %dma_start3A_227 = arith.constant 4 : i32
      %dma_start3A_228 = arith.constant 0 : i32
      %dma_start3A_229 = arith.constant 0 : i32
      %dma_start3A_230 = tpu.memref_slice %arg9[%dma_start3A_227, %dma_start3A_228, %dma_start3A_229] : memref<8x128x32xf32, #tpu.memory_space<vmem>> -> memref<1x128x32xf32, #tpu.memory_space<vmem>>
      %dma_start3A_231 = tpu.memref_squeeze %dma_start3A_230 : memref<1x128x32xf32, #tpu.memory_space<vmem>> -> memref<128x32xf32, #tpu.memory_space<vmem>>
      %dma_start3A_232 = arith.constant 0 : i32
      %dma_start3A_233 = tpu.memref_slice %arg8[%add3A_226, %dma_start3A_232] : memref<80x128xi32, #tpu.memory_space<vmem>> -> memref<1x128xi32, #tpu.memory_space<vmem>>
      %dma_start3A_234 = tpu.memref_squeeze %dma_start3A_233 : memref<1x128xi32, #tpu.memory_space<vmem>> -> memref<128xi32, #tpu.memory_space<vmem>>
      %dma_start3A_235 = arith.constant 0 : i32
      %dma_start3A_236 = arith.constant 0 : i32
      %dma_start3A_237 = tpu.memref_slice %arg10[%dma_start3A_235, %dma_start3A_236] : memref<10240x32xf32, #tpu.memory_space<vmem_shared>> -> memref<10240x32xf32, #tpu.memory_space<vmem_shared>>
      tpu.enqueue_indirect_dma source(%dma_start3A_231 : memref<128x32xf32, #tpu.memory_space<vmem>>) target(%dma_start3A_237 : memref<10240x32xf32, #tpu.memory_space<vmem_shared>>) offsets(%dma_start3A_234 : memref<128xi32, #tpu.memory_space<vmem>>) semaphore(%arg12 : memref<!tpu.dma_semaphore, #tpu.memory_space<semaphore_mem>>) {add = true}
      %dma_wait3A_238 = arith.constant 5 : i32
      %dma_wait3A_239 = arith.constant 0 : i32
      %dma_wait3A_240 = arith.constant 0 : i32
      %dma_wait3A_241 = tpu.memref_slice %arg9[%dma_wait3A_238, %dma_wait3A_239, %dma_wait3A_240] : memref<8x128x32xf32, #tpu.memory_space<vmem>> -> memref<1x128x32xf32, #tpu.memory_space<vmem>>
      %dma_wait3A_242 = tpu.memref_squeeze %dma_wait3A_241 : memref<1x128x32xf32, #tpu.memory_space<vmem>> -> memref<128x32xf32, #tpu.memory_space<vmem>>
      %dma_wait3A_243 = arith.constant 0 : i32
      %dma_wait3A_244 = tpu.memref_slice %arg7[%add3A_81, %dma_wait3A_243] : memref<80x128xi32, #tpu.memory_space<vmem>> -> memref<1x128xi32, #tpu.memory_space<vmem>>
      %dma_wait3A_245 = tpu.memref_squeeze %dma_wait3A_244 : memref<1x128xi32, #tpu.memory_space<vmem>> -> memref<128xi32, #tpu.memory_space<vmem>>
      %dma_wait3A_246 = arith.constant 0 : i32
      %dma_wait3A_247 = arith.constant 0 : i32
      %dma_wait3A_248 = tpu.memref_slice %arg2[%dma_wait3A_246, %dma_wait3A_247] : memref<10000x32xf32, #tpu.memory_space<hbm>> -> memref<10000x32xf32, #tpu.memory_space<hbm>>
      tpu.wait_indirect_dma semaphore(%arg11 : memref<!tpu.dma_semaphore, #tpu.memory_space<semaphore_mem>>) src(%dma_wait3A_248 : memref<10000x32xf32, #tpu.memory_space<hbm>>) dst(%dma_wait3A_242 : memref<128x32xf32, #tpu.memory_space<vmem>>)
      %add3A_249 = arith.constant 5 : i32
      %add3A_250 = arith.addi %scan3A_15, %add3A_249 : i32
      %dma_start3A_251 = arith.constant 5 : i32
      %dma_start3A_252 = arith.constant 0 : i32
      %dma_start3A_253 = arith.constant 0 : i32
      %dma_start3A_254 = tpu.memref_slice %arg9[%dma_start3A_251, %dma_start3A_252, %dma_start3A_253] : memref<8x128x32xf32, #tpu.memory_space<vmem>> -> memref<1x128x32xf32, #tpu.memory_space<vmem>>
      %dma_start3A_255 = tpu.memref_squeeze %dma_start3A_254 : memref<1x128x32xf32, #tpu.memory_space<vmem>> -> memref<128x32xf32, #tpu.memory_space<vmem>>
      %dma_start3A_256 = arith.constant 0 : i32
      %dma_start3A_257 = tpu.memref_slice %arg8[%add3A_250, %dma_start3A_256] : memref<80x128xi32, #tpu.memory_space<vmem>> -> memref<1x128xi32, #tpu.memory_space<vmem>>
      %dma_start3A_258 = tpu.memref_squeeze %dma_start3A_257 : memref<1x128xi32, #tpu.memory_space<vmem>> -> memref<128xi32, #tpu.memory_space<vmem>>
      %dma_start3A_259 = arith.constant 0 : i32
      %dma_start3A_260 = arith.constant 0 : i32
      %dma_start3A_261 = tpu.memref_slice %arg10[%dma_start3A_259, %dma_start3A_260] : memref<10240x32xf32, #tpu.memory_space<vmem_shared>> -> memref<10240x32xf32, #tpu.memory_space<vmem_shared>>
      tpu.enqueue_indirect_dma source(%dma_start3A_255 : memref<128x32xf32, #tpu.memory_space<vmem>>) target(%dma_start3A_261 : memref<10240x32xf32, #tpu.memory_space<vmem_shared>>) offsets(%dma_start3A_258 : memref<128xi32, #tpu.memory_space<vmem>>) semaphore(%arg12 : memref<!tpu.dma_semaphore, #tpu.memory_space<semaphore_mem>>) {add = true}
      %dma_wait3A_262 = arith.constant 6 : i32
      %dma_wait3A_263 = arith.constant 0 : i32
      %dma_wait3A_264 = arith.constant 0 : i32
      %dma_wait3A_265 = tpu.memref_slice %arg9[%dma_wait3A_262, %dma_wait3A_263, %dma_wait3A_264] : memref<8x128x32xf32, #tpu.memory_space<vmem>> -> memref<1x128x32xf32, #tpu.memory_space<vmem>>
      %dma_wait3A_266 = tpu.memref_squeeze %dma_wait3A_265 : memref<1x128x32xf32, #tpu.memory_space<vmem>> -> memref<128x32xf32, #tpu.memory_space<vmem>>
      %dma_wait3A_267 = arith.constant 0 : i32
      %dma_wait3A_268 = tpu.memref_slice %arg7[%add3A_94, %dma_wait3A_267] : memref<80x128xi32, #tpu.memory_space<vmem>> -> memref<1x128xi32, #tpu.memory_space<vmem>>
      %dma_wait3A_269 = tpu.memref_squeeze %dma_wait3A_268 : memref<1x128xi32, #tpu.memory_space<vmem>> -> memref<128xi32, #tpu.memory_space<vmem>>
      %dma_wait3A_270 = arith.constant 0 : i32
      %dma_wait3A_271 = arith.constant 0 : i32
      %dma_wait3A_272 = tpu.memref_slice %arg2[%dma_wait3A_270, %dma_wait3A_271] : memref<10000x32xf32, #tpu.memory_space<hbm>> -> memref<10000x32xf32, #tpu.memory_space<hbm>>
      tpu.wait_indirect_dma semaphore(%arg11 : memref<!tpu.dma_semaphore, #tpu.memory_space<semaphore_mem>>) src(%dma_wait3A_272 : memref<10000x32xf32, #tpu.memory_space<hbm>>) dst(%dma_wait3A_266 : memref<128x32xf32, #tpu.memory_space<vmem>>)
      %add3A_273 = arith.constant 6 : i32
      %add3A_274 = arith.addi %scan3A_15, %add3A_273 : i32
      %dma_start3A_275 = arith.constant 6 : i32
      %dma_start3A_276 = arith.constant 0 : i32
      %dma_start3A_277 = arith.constant 0 : i32
      %dma_start3A_278 = tpu.memref_slice %arg9[%dma_start3A_275, %dma_start3A_276, %dma_start3A_277] : memref<8x128x32xf32, #tpu.memory_space<vmem>> -> memref<1x128x32xf32, #tpu.memory_space<vmem>>
      %dma_start3A_279 = tpu.memref_squeeze %dma_start3A_278 : memref<1x128x32xf32, #tpu.memory_space<vmem>> -> memref<128x32xf32, #tpu.memory_space<vmem>>
      %dma_start3A_280 = arith.constant 0 : i32
      %dma_start3A_281 = tpu.memref_slice %arg8[%add3A_274, %dma_start3A_280] : memref<80x128xi32, #tpu.memory_space<vmem>> -> memref<1x128xi32, #tpu.memory_space<vmem>>
      %dma_start3A_282 = tpu.memref_squeeze %dma_start3A_281 : memref<1x128xi32, #tpu.memory_space<vmem>> -> memref<128xi32, #tpu.memory_space<vmem>>
      %dma_start3A_283 = arith.constant 0 : i32
      %dma_start3A_284 = arith.constant 0 : i32
      %dma_start3A_285 = tpu.memref_slice %arg10[%dma_start3A_283, %dma_start3A_284] : memref<10240x32xf32, #tpu.memory_space<vmem_shared>> -> memref<10240x32xf32, #tpu.memory_space<vmem_shared>>
      tpu.enqueue_indirect_dma source(%dma_start3A_279 : memref<128x32xf32, #tpu.memory_space<vmem>>) target(%dma_start3A_285 : memref<10240x32xf32, #tpu.memory_space<vmem_shared>>) offsets(%dma_start3A_282 : memref<128xi32, #tpu.memory_space<vmem>>) semaphore(%arg12 : memref<!tpu.dma_semaphore, #tpu.memory_space<semaphore_mem>>) {add = true}
      %dma_wait3A_286 = arith.constant 7 : i32
      %dma_wait3A_287 = arith.constant 0 : i32
      %dma_wait3A_288 = arith.constant 0 : i32
      %dma_wait3A_289 = tpu.memref_slice %arg9[%dma_wait3A_286, %dma_wait3A_287, %dma_wait3A_288] : memref<8x128x32xf32, #tpu.memory_space<vmem>> -> memref<1x128x32xf32, #tpu.memory_space<vmem>>
      %dma_wait3A_290 = tpu.memref_squeeze %dma_wait3A_289 : memref<1x128x32xf32, #tpu.memory_space<vmem>> -> memref<128x32xf32, #tpu.memory_space<vmem>>
      %dma_wait3A_291 = arith.constant 0 : i32
      %dma_wait3A_292 = tpu.memref_slice %arg7[%add3A_107, %dma_wait3A_291] : memref<80x128xi32, #tpu.memory_space<vmem>> -> memref<1x128xi32, #tpu.memory_space<vmem>>
      %dma_wait3A_293 = tpu.memref_squeeze %dma_wait3A_292 : memref<1x128xi32, #tpu.memory_space<vmem>> -> memref<128xi32, #tpu.memory_space<vmem>>
      %dma_wait3A_294 = arith.constant 0 : i32
      %dma_wait3A_295 = arith.constant 0 : i32
      %dma_wait3A_296 = tpu.memref_slice %arg2[%dma_wait3A_294, %dma_wait3A_295] : memref<10000x32xf32, #tpu.memory_space<hbm>> -> memref<10000x32xf32, #tpu.memory_space<hbm>>
      tpu.wait_indirect_dma semaphore(%arg11 : memref<!tpu.dma_semaphore, #tpu.memory_space<semaphore_mem>>) src(%dma_wait3A_296 : memref<10000x32xf32, #tpu.memory_space<hbm>>) dst(%dma_wait3A_290 : memref<128x32xf32, #tpu.memory_space<vmem>>)
      %add3A_297 = arith.constant 7 : i32
      %add3A_298 = arith.addi %scan3A_15, %add3A_297 : i32
      %dma_start3A_299 = arith.constant 7 : i32
      %dma_start3A_300 = arith.constant 0 : i32
      %dma_start3A_301 = arith.constant 0 : i32
      %dma_start3A_302 = tpu.memref_slice %arg9[%dma_start3A_299, %dma_start3A_300, %dma_start3A_301] : memref<8x128x32xf32, #tpu.memory_space<vmem>> -> memref<1x128x32xf32, #tpu.memory_space<vmem>>
      %dma_start3A_303 = tpu.memref_squeeze %dma_start3A_302 : memref<1x128x32xf32, #tpu.memory_space<vmem>> -> memref<128x32xf32, #tpu.memory_space<vmem>>
      %dma_start3A_304 = arith.constant 0 : i32
      %dma_start3A_305 = tpu.memref_slice %arg8[%add3A_298, %dma_start3A_304] : memref<80x128xi32, #tpu.memory_space<vmem>> -> memref<1x128xi32, #tpu.memory_space<vmem>>
      %dma_start3A_306 = tpu.memref_squeeze %dma_start3A_305 : memref<1x128xi32, #tpu.memory_space<vmem>> -> memref<128xi32, #tpu.memory_space<vmem>>
      %dma_start3A_307 = arith.constant 0 : i32
      %dma_start3A_308 = arith.constant 0 : i32
      %dma_start3A_309 = tpu.memref_slice %arg10[%dma_start3A_307, %dma_start3A_308] : memref<10240x32xf32, #tpu.memory_space<vmem_shared>> -> memref<10240x32xf32, #tpu.memory_space<vmem_shared>>
      tpu.enqueue_indirect_dma source(%dma_start3A_303 : memref<128x32xf32, #tpu.memory_space<vmem>>) target(%dma_start3A_309 : memref<10240x32xf32, #tpu.memory_space<vmem_shared>>) offsets(%dma_start3A_306 : memref<128xi32, #tpu.memory_space<vmem>>) semaphore(%arg12 : memref<!tpu.dma_semaphore, #tpu.memory_space<semaphore_mem>>) {add = true}
      %dma_wait3A_310 = arith.constant 0 : i32
      %dma_wait3A_311 = arith.constant 0 : i32
      %dma_wait3A_312 = arith.constant 0 : i32
      %dma_wait3A_313 = tpu.memref_slice %arg9[%dma_wait3A_310, %dma_wait3A_311, %dma_wait3A_312] : memref<8x128x32xf32, #tpu.memory_space<vmem>> -> memref<1x128x32xf32, #tpu.memory_space<vmem>>
      %dma_wait3A_314 = tpu.memref_squeeze %dma_wait3A_313 : memref<1x128x32xf32, #tpu.memory_space<vmem>> -> memref<128x32xf32, #tpu.memory_space<vmem>>
      %dma_wait3A_315 = arith.constant 0 : i32
      %dma_wait3A_316 = tpu.memref_slice %arg8[%add3A_130, %dma_wait3A_315] : memref<80x128xi32, #tpu.memory_space<vmem>> -> memref<1x128xi32, #tpu.memory_space<vmem>>
      %dma_wait3A_317 = tpu.memref_squeeze %dma_wait3A_316 : memref<1x128xi32, #tpu.memory_space<vmem>> -> memref<128xi32, #tpu.memory_space<vmem>>
      %dma_wait3A_318 = arith.constant 0 : i32
      %dma_wait3A_319 = arith.constant 0 : i32
      %dma_wait3A_320 = tpu.memref_slice %arg10[%dma_wait3A_318, %dma_wait3A_319] : memref<10240x32xf32, #tpu.memory_space<vmem_shared>> -> memref<10240x32xf32, #tpu.memory_space<vmem_shared>>
      tpu.wait_indirect_dma semaphore(%arg12 : memref<!tpu.dma_semaphore, #tpu.memory_space<semaphore_mem>>) src(%dma_wait3A_314 : memref<128x32xf32, #tpu.memory_space<vmem>>) dst(%dma_wait3A_320 : memref<10240x32xf32, #tpu.memory_space<vmem_shared>>)
      %dma_wait3A_321 = arith.constant 1 : i32
      %dma_wait3A_322 = arith.constant 0 : i32
      %dma_wait3A_323 = arith.constant 0 : i32
      %dma_wait3A_324 = tpu.memref_slice %arg9[%dma_wait3A_321, %dma_wait3A_322, %dma_wait3A_323] : memref<8x128x32xf32, #tpu.memory_space<vmem>> -> memref<1x128x32xf32, #tpu.memory_space<vmem>>
      %dma_wait3A_325 = tpu.memref_squeeze %dma_wait3A_324 : memref<1x128x32xf32, #tpu.memory_space<vmem>> -> memref<128x32xf32, #tpu.memory_space<vmem>>
      %dma_wait3A_326 = arith.constant 0 : i32
      %dma_wait3A_327 = tpu.memref_slice %arg8[%add3A_154, %dma_wait3A_326] : memref<80x128xi32, #tpu.memory_space<vmem>> -> memref<1x128xi32, #tpu.memory_space<vmem>>
      %dma_wait3A_328 = tpu.memref_squeeze %dma_wait3A_327 : memref<1x128xi32, #tpu.memory_space<vmem>> -> memref<128xi32, #tpu.memory_space<vmem>>
      %dma_wait3A_329 = arith.constant 0 : i32
      %dma_wait3A_330 = arith.constant 0 : i32
      %dma_wait3A_331 = tpu.memref_slice %arg10[%dma_wait3A_329, %dma_wait3A_330] : memref<10240x32xf32, #tpu.memory_space<vmem_shared>> -> memref<10240x32xf32, #tpu.memory_space<vmem_shared>>
      tpu.wait_indirect_dma semaphore(%arg12 : memref<!tpu.dma_semaphore, #tpu.memory_space<semaphore_mem>>) src(%dma_wait3A_325 : memref<128x32xf32, #tpu.memory_space<vmem>>) dst(%dma_wait3A_331 : memref<10240x32xf32, #tpu.memory_space<vmem_shared>>)
      %dma_wait3A_332 = arith.constant 2 : i32
      %dma_wait3A_333 = arith.constant 0 : i32
      %dma_wait3A_334 = arith.constant 0 : i32
      %dma_wait3A_335 = tpu.memref_slice %arg9[%dma_wait3A_332, %dma_wait3A_333, %dma_wait3A_334] : memref<8x128x32xf32, #tpu.memory_space<vmem>> -> memref<1x128x32xf32, #tpu.memory_space<vmem>>
      %dma_wait3A_336 = tpu.memref_squeeze %dma_wait3A_335 : memref<1x128x32xf32, #tpu.memory_space<vmem>> -> memref<128x32xf32, #tpu.memory_space<vmem>>
      %dma_wait3A_337 = arith.constant 0 : i32
      %dma_wait3A_338 = tpu.memref_slice %arg8[%add3A_178, %dma_wait3A_337] : memref<80x128xi32, #tpu.memory_space<vmem>> -> memref<1x128xi32, #tpu.memory_space<vmem>>
      %dma_wait3A_339 = tpu.memref_squeeze %dma_wait3A_338 : memref<1x128xi32, #tpu.memory_space<vmem>> -> memref<128xi32, #tpu.memory_space<vmem>>
      %dma_wait3A_340 = arith.constant 0 : i32
      %dma_wait3A_341 = arith.constant 0 : i32
      %dma_wait3A_342 = tpu.memref_slice %arg10[%dma_wait3A_340, %dma_wait3A_341] : memref<10240x32xf32, #tpu.memory_space<vmem_shared>> -> memref<10240x32xf32, #tpu.memory_space<vmem_shared>>
      tpu.wait_indirect_dma semaphore(%arg12 : memref<!tpu.dma_semaphore, #tpu.memory_space<semaphore_mem>>) src(%dma_wait3A_336 : memref<128x32xf32, #tpu.memory_space<vmem>>) dst(%dma_wait3A_342 : memref<10240x32xf32, #tpu.memory_space<vmem_shared>>)
      %dma_wait3A_343 = arith.constant 3 : i32
      %dma_wait3A_344 = arith.constant 0 : i32
      %dma_wait3A_345 = arith.constant 0 : i32
      %dma_wait3A_346 = tpu.memref_slice %arg9[%dma_wait3A_343, %dma_wait3A_344, %dma_wait3A_345] : memref<8x128x32xf32, #tpu.memory_space<vmem>> -> memref<1x128x32xf32, #tpu.memory_space<vmem>>
      %dma_wait3A_347 = tpu.memref_squeeze %dma_wait3A_346 : memref<1x128x32xf32, #tpu.memory_space<vmem>> -> memref<128x32xf32, #tpu.memory_space<vmem>>
      %dma_wait3A_348 = arith.constant 0 : i32
      %dma_wait3A_349 = tpu.memref_slice %arg8[%add3A_202, %dma_wait3A_348] : memref<80x128xi32, #tpu.memory_space<vmem>> -> memref<1x128xi32, #tpu.memory_space<vmem>>
      %dma_wait3A_350 = tpu.memref_squeeze %dma_wait3A_349 : memref<1x128xi32, #tpu.memory_space<vmem>> -> memref<128xi32, #tpu.memory_space<vmem>>
      %dma_wait3A_351 = arith.constant 0 : i32
      %dma_wait3A_352 = arith.constant 0 : i32
      %dma_wait3A_353 = tpu.memref_slice %arg10[%dma_wait3A_351, %dma_wait3A_352] : memref<10240x32xf32, #tpu.memory_space<vmem_shared>> -> memref<10240x32xf32, #tpu.memory_space<vmem_shared>>
      tpu.wait_indirect_dma semaphore(%arg12 : memref<!tpu.dma_semaphore, #tpu.memory_space<semaphore_mem>>) src(%dma_wait3A_347 : memref<128x32xf32, #tpu.memory_space<vmem>>) dst(%dma_wait3A_353 : memref<10240x32xf32, #tpu.memory_space<vmem_shared>>)
      %dma_wait3A_354 = arith.constant 4 : i32
      %dma_wait3A_355 = arith.constant 0 : i32
      %dma_wait3A_356 = arith.constant 0 : i32
      %dma_wait3A_357 = tpu.memref_slice %arg9[%dma_wait3A_354, %dma_wait3A_355, %dma_wait3A_356] : memref<8x128x32xf32, #tpu.memory_space<vmem>> -> memref<1x128x32xf32, #tpu.memory_space<vmem>>
      %dma_wait3A_358 = tpu.memref_squeeze %dma_wait3A_357 : memref<1x128x32xf32, #tpu.memory_space<vmem>> -> memref<128x32xf32, #tpu.memory_space<vmem>>
      %dma_wait3A_359 = arith.constant 0 : i32
      %dma_wait3A_360 = tpu.memref_slice %arg8[%add3A_226, %dma_wait3A_359] : memref<80x128xi32, #tpu.memory_space<vmem>> -> memref<1x128xi32, #tpu.memory_space<vmem>>
      %dma_wait3A_361 = tpu.memref_squeeze %dma_wait3A_360 : memref<1x128xi32, #tpu.memory_space<vmem>> -> memref<128xi32, #tpu.memory_space<vmem>>
      %dma_wait3A_362 = arith.constant 0 : i32
      %dma_wait3A_363 = arith.constant 0 : i32
      %dma_wait3A_364 = tpu.memref_slice %arg10[%dma_wait3A_362, %dma_wait3A_363] : memref<10240x32xf32, #tpu.memory_space<vmem_shared>> -> memref<10240x32xf32, #tpu.memory_space<vmem_shared>>
      tpu.wait_indirect_dma semaphore(%arg12 : memref<!tpu.dma_semaphore, #tpu.memory_space<semaphore_mem>>) src(%dma_wait3A_358 : memref<128x32xf32, #tpu.memory_space<vmem>>) dst(%dma_wait3A_364 : memref<10240x32xf32, #tpu.memory_space<vmem_shared>>)
      %dma_wait3A_365 = arith.constant 5 : i32
      %dma_wait3A_366 = arith.constant 0 : i32
      %dma_wait3A_367 = arith.constant 0 : i32
      %dma_wait3A_368 = tpu.memref_slice %arg9[%dma_wait3A_365, %dma_wait3A_366, %dma_wait3A_367] : memref<8x128x32xf32, #tpu.memory_space<vmem>> -> memref<1x128x32xf32, #tpu.memory_space<vmem>>
      %dma_wait3A_369 = tpu.memref_squeeze %dma_wait3A_368 : memref<1x128x32xf32, #tpu.memory_space<vmem>> -> memref<128x32xf32, #tpu.memory_space<vmem>>
      %dma_wait3A_370 = arith.constant 0 : i32
      %dma_wait3A_371 = tpu.memref_slice %arg8[%add3A_250, %dma_wait3A_370] : memref<80x128xi32, #tpu.memory_space<vmem>> -> memref<1x128xi32, #tpu.memory_space<vmem>>
      %dma_wait3A_372 = tpu.memref_squeeze %dma_wait3A_371 : memref<1x128xi32, #tpu.memory_space<vmem>> -> memref<128xi32, #tpu.memory_space<vmem>>
      %dma_wait3A_373 = arith.constant 0 : i32
      %dma_wait3A_374 = arith.constant 0 : i32
      %dma_wait3A_375 = tpu.memref_slice %arg10[%dma_wait3A_373, %dma_wait3A_374] : memref<10240x32xf32, #tpu.memory_space<vmem_shared>> -> memref<10240x32xf32, #tpu.memory_space<vmem_shared>>
      tpu.wait_indirect_dma semaphore(%arg12 : memref<!tpu.dma_semaphore, #tpu.memory_space<semaphore_mem>>) src(%dma_wait3A_369 : memref<128x32xf32, #tpu.memory_space<vmem>>) dst(%dma_wait3A_375 : memref<10240x32xf32, #tpu.memory_space<vmem_shared>>)
      %dma_wait3A_376 = arith.constant 6 : i32
      %dma_wait3A_377 = arith.constant 0 : i32
      %dma_wait3A_378 = arith.constant 0 : i32
      %dma_wait3A_379 = tpu.memref_slice %arg9[%dma_wait3A_376, %dma_wait3A_377, %dma_wait3A_378] : memref<8x128x32xf32, #tpu.memory_space<vmem>> -> memref<1x128x32xf32, #tpu.memory_space<vmem>>
      %dma_wait3A_380 = tpu.memref_squeeze %dma_wait3A_379 : memref<1x128x32xf32, #tpu.memory_space<vmem>> -> memref<128x32xf32, #tpu.memory_space<vmem>>
      %dma_wait3A_381 = arith.constant 0 : i32
      %dma_wait3A_382 = tpu.memref_slice %arg8[%add3A_274, %dma_wait3A_381] : memref<80x128xi32, #tpu.memory_space<vmem>> -> memref<1x128xi32, #tpu.memory_space<vmem>>
      %dma_wait3A_383 = tpu.memref_squeeze %dma_wait3A_382 : memref<1x128xi32, #tpu.memory_space<vmem>> -> memref<128xi32, #tpu.memory_space<vmem>>
      %dma_wait3A_384 = arith.constant 0 : i32
      %dma_wait3A_385 = arith.constant 0 : i32
      %dma_wait3A_386 = tpu.memref_slice %arg10[%dma_wait3A_384, %dma_wait3A_385] : memref<10240x32xf32, #tpu.memory_space<vmem_shared>> -> memref<10240x32xf32, #tpu.memory_space<vmem_shared>>
      tpu.wait_indirect_dma semaphore(%arg12 : memref<!tpu.dma_semaphore, #tpu.memory_space<semaphore_mem>>) src(%dma_wait3A_380 : memref<128x32xf32, #tpu.memory_space<vmem>>) dst(%dma_wait3A_386 : memref<10240x32xf32, #tpu.memory_space<vmem_shared>>)
      %dma_wait3A_387 = arith.constant 7 : i32
      %dma_wait3A_388 = arith.constant 0 : i32
      %dma_wait3A_389 = arith.constant 0 : i32
      %dma_wait3A_390 = tpu.memref_slice %arg9[%dma_wait3A_387, %dma_wait3A_388, %dma_wait3A_389] : memref<8x128x32xf32, #tpu.memory_space<vmem>> -> memref<1x128x32xf32, #tpu.memory_space<vmem>>
      %dma_wait3A_391 = tpu.memref_squeeze %dma_wait3A_390 : memref<1x128x32xf32, #tpu.memory_space<vmem>> -> memref<128x32xf32, #tpu.memory_space<vmem>>
      %dma_wait3A_392 = arith.constant 0 : i32
      %dma_wait3A_393 = tpu.memref_slice %arg8[%add3A_298, %dma_wait3A_392] : memref<80x128xi32, #tpu.memory_space<vmem>> -> memref<1x128xi32, #tpu.memory_space<vmem>>
      %dma_wait3A_394 = tpu.memref_squeeze %dma_wait3A_393 : memref<1x128xi32, #tpu.memory_space<vmem>> -> memref<128xi32, #tpu.memory_space<vmem>>
      %dma_wait3A_395 = arith.constant 0 : i32
      %dma_wait3A_396 = arith.constant 0 : i32
      %dma_wait3A_397 = tpu.memref_slice %arg10[%dma_wait3A_395, %dma_wait3A_396] : memref<10240x32xf32, #tpu.memory_space<vmem_shared>> -> memref<10240x32xf32, #tpu.memory_space<vmem_shared>>
      tpu.wait_indirect_dma semaphore(%arg12 : memref<!tpu.dma_semaphore, #tpu.memory_space<semaphore_mem>>) src(%dma_wait3A_391 : memref<128x32xf32, #tpu.memory_space<vmem>>) dst(%dma_wait3A_397 : memref<10240x32xf32, #tpu.memory_space<vmem_shared>>)
      %add3A_398 = arith.constant 8 : i32
      %add3A_399 = arith.addi %scan3A_15, %add3A_398 : i32
      scf.yield %add3A_399 : i32
    }
    %scan3A_8 = arith.constant 10 : i32
    %barrier3A_9 = arith.constant 0 : index
    tpu.barrier barrier_id(%barrier3A_9)
    %mul3A_10 = arith.constant 640 : i32
    %mul3A_11 = arith.muli %arg1, %mul3A_10 : i32
    %mul3A_12 = arith.constant 640 : i32
    %mul3A_13 = arith.muli %arg1, %mul3A_12 : i32
    "tpu.region"() ({
      %run_scoped3A = tpu.sem_alloc : memref<!tpu.dma_semaphore, #tpu.memory_space<semaphore_mem>>
      %dma_start3A = arith.constant 0 : i32
      %dma_start3A_14 = tpu.memref_slice %arg6[%arg0, %mul3A_13, %dma_start3A] : memref<2x10240x32xf32, #tpu.memory_space<hbm>> -> memref<1x640x32xf32, #tpu.memory_space<hbm>>
      %dma_start3A_15 = tpu.memref_squeeze %dma_start3A_14 : memref<1x640x32xf32, #tpu.memory_space<hbm>> -> memref<640x32xf32, #tpu.memory_space<hbm>>
      %dma_start3A_16 = arith.constant 0 : i32
      %dma_start3A_17 = tpu.memref_slice %arg10[%mul3A_11, %dma_start3A_16] : memref<10240x32xf32, #tpu.memory_space<vmem_shared>> -> memref<640x32xf32, #tpu.memory_space<vmem_shared>>
      tpu.enqueue_dma source(%dma_start3A_17 : memref<640x32xf32, #tpu.memory_space<vmem_shared>>) target(%dma_start3A_15 : memref<640x32xf32, #tpu.memory_space<hbm>>) target_semaphore(%run_scoped3A : memref<!tpu.dma_semaphore, #tpu.memory_space<semaphore_mem>>)
      %dma_wait3A = arith.constant 0 : i32
      %dma_wait3A_18 = tpu.memref_slice %arg6[%arg0, %mul3A_13, %dma_wait3A] : memref<2x10240x32xf32, #tpu.memory_space<hbm>> -> memref<1x640x32xf32, #tpu.memory_space<hbm>>
      %dma_wait3A_19 = tpu.memref_squeeze %dma_wait3A_18 : memref<1x640x32xf32, #tpu.memory_space<hbm>> -> memref<640x32xf32, #tpu.memory_space<hbm>>
      %dma_wait3A_20 = arith.constant 0 : i32
      %dma_wait3A_21 = tpu.memref_slice %arg10[%mul3A_11, %dma_wait3A_20] : memref<10240x32xf32, #tpu.memory_space<vmem_shared>> -> memref<640x32xf32, #tpu.memory_space<vmem_shared>>
      tpu.wait_dma2 semaphore(%run_scoped3A : memref<!tpu.dma_semaphore, #tpu.memory_space<semaphore_mem>>) src(%dma_wait3A_21 : memref<640x32xf32, #tpu.memory_space<vmem_shared>>) dst(%dma_wait3A_19 : memref<640x32xf32, #tpu.memory_space<hbm>>)
      tpu.yield
    }) : () -> ()
    return
  }
}

module attributes {stable_mosaic.version = 14 : i64} {
  func.func @body(%arg0: memref<10000x128xf32, #tpu.memory_space<vmem>>, %arg1: memref<128x32xf32, #tpu.memory_space<vmem>>, %arg2: memref<128x32xf32, #tpu.memory_space<vmem>>, %arg3: memref<10000x32xf32, #tpu.memory_space<vmem>>, %arg4: memref<10000x32xf32, #tpu.memory_space<vmem>>) attributes {dimension_semantics = [], scalar_prefetch = 0 : i64, scratch_operands = 0 : i64, tpu.core_type = #tpu.core_type<tc>} {
    %get3A = arith.constant 0 : index
    %get3A_0 = arith.constant 0 : index
    %get3A_1 = vector.load %arg0[%get3A, %get3A_0] : memref<10000x128xf32, #tpu.memory_space<vmem>>, vector<10000x128xf32>
    %get3A_2 = arith.constant 0 : index
    %get3A_3 = arith.constant 0 : index
    %get3A_4 = vector.load %arg1[%get3A_2, %get3A_3] : memref<128x32xf32, #tpu.memory_space<vmem>>, vector<128x32xf32>
    %dot_general3A = arith.constant dense<0.000000e+00> : vector<10000x32xf32>
    %dot_general3A_5 = tpu.matmul %get3A_1, %get3A_4, %dot_general3A {dimension_numbers = #tpu.dot_dimension_numbers<[1], [0], [0], [1], [0, 0, 1, 1], [], []>, transpose_lhs_hint = false} : vector<10000x128xf32>, vector<128x32xf32>, vector<10000x32xf32> -> vector<10000x32xf32>
    %swap3A = arith.constant 0 : index
    %swap3A_6 = arith.constant 0 : index
    %swap3A_7 = vector.load %arg3[%swap3A, %swap3A_6] : memref<10000x32xf32, #tpu.memory_space<vmem>>, vector<10000x32xf32>
    tpu.vector_store %arg3[%swap3A, %swap3A_6], %dot_general3A_5 {strides = array<i32>} : memref<10000x32xf32, #tpu.memory_space<vmem>>, vector<10000x32xf32>,
    %get3A_8 = arith.constant 0 : index
    %get3A_9 = arith.constant 0 : index
    %get3A_10 = vector.load %arg2[%get3A_8, %get3A_9] : memref<128x32xf32, #tpu.memory_space<vmem>>, vector<128x32xf32>
    %dot_general3A_11 = arith.constant dense<0.000000e+00> : vector<10000x32xf32>
    %dot_general3A_12 = tpu.matmul %get3A_1, %get3A_10, %dot_general3A_11 {dimension_numbers = #tpu.dot_dimension_numbers<[1], [0], [0], [1], [0, 0, 1, 1], [], []>, transpose_lhs_hint = false} : vector<10000x128xf32>, vector<128x32xf32>, vector<10000x32xf32> -> vector<10000x32xf32>
    %swap3A_13 = arith.constant 0 : index
    %swap3A_14 = arith.constant 0 : index
    %swap3A_15 = vector.load %arg4[%swap3A_13, %swap3A_14] : memref<10000x32xf32, #tpu.memory_space<vmem>>, vector<10000x32xf32>
    tpu.vector_store %arg4[%swap3A_13, %swap3A_14], %dot_general3A_12 {strides = array<i32>} : memref<10000x32xf32, #tpu.memory_space<vmem>>, vector<10000x32xf32>,
    return
  }
}

module attributes {stable_mosaic.version = 14 : i64} {
  func.func @body(%arg0: memref<10000x32xf32, #tpu.memory_space<vmem>>, %arg1: memref<2x10240x32xf32, #tpu.memory_space<vmem>>, %arg2: memref<1x32xf32, #tpu.memory_space<vmem>>, %arg3: memref<1x32xf32, #tpu.memory_space<vmem>>, %arg4: memref<32x32xf32, #tpu.memory_space<vmem>>, %arg5: memref<32x32xf32, #tpu.memory_space<vmem>>, %arg6: memref<10000x32xf32, #tpu.memory_space<vmem>>, %arg7: memref<10000x32xf32, #tpu.memory_space<vmem>>) attributes {dimension_semantics = [], scalar_prefetch = 0 : i64, scratch_operands = 0 : i64, tpu.core_type = #tpu.core_type<tc>} {
    %get3A = arith.constant 0 : index
    %get3A_0 = arith.constant 0 : index
    %get3A_1 = vector.load %arg0[%get3A, %get3A_0] : memref<10000x32xf32, #tpu.memory_space<vmem>>, vector<10000x32xf32>
    %get3A_2 = arith.constant 0 : index
    %get3A_3 = arith.constant 0 : index
    %get3A_4 = arith.constant 0 : index
    %get3A_5 = vector.load %arg1[%get3A_2, %get3A_3, %get3A_4] : memref<2x10240x32xf32, #tpu.memory_space<vmem>>, vector<1x10000x32xf32>
    %get3A_6 = vector.shape_cast %get3A_5 : vector<1x10000x32xf32> to vector<10000x32xf32>
    %add3A = arith.addf %get3A_1, %get3A_6 : vector<10000x32xf32>
    %get3A_7 = arith.constant 1 : index
    %get3A_8 = arith.constant 0 : index
    %get3A_9 = arith.constant 0 : index
    %get3A_10 = vector.load %arg1[%get3A_7, %get3A_8, %get3A_9] : memref<2x10240x32xf32, #tpu.memory_space<vmem>>, vector<1x10000x32xf32>
    %get3A_11 = vector.shape_cast %get3A_10 : vector<1x10000x32xf32> to vector<10000x32xf32>
    %add3A_12 = arith.addf %add3A, %get3A_11 : vector<10000x32xf32>
    %get3A_13 = arith.constant 0 : index
    %get3A_14 = arith.constant 0 : index
    %get3A_15 = vector.load %arg2[%get3A_13, %get3A_14] : memref<1x32xf32, #tpu.memory_space<vmem>>, vector<1x32xf32>
    %get3A_16 = arith.constant 0 : index
    %get3A_17 = arith.constant 0 : index
    %get3A_18 = vector.load %arg3[%get3A_16, %get3A_17] : memref<1x32xf32, #tpu.memory_space<vmem>>, vector<1x32xf32>
    %reduce_sum3A = arith.constant dense<0.000000e+00> : vector<32xf32>
    %reduce_sum3A_19 = vector.multi_reduction <add>, %add3A_12, %reduce_sum3A [0] : vector<10000x32xf32> to vector<32xf32>
    %broadcast_in_dim3A = vector.shape_cast %reduce_sum3A_19 : vector<32xf32> to vector<1x32xf32>
    %div3A = arith.constant 1.000000e+04 : f32
    %div3A_20 = vector.broadcast %div3A : f32 to vector<1x32xf32>
    %div3A_21 = arith.divf %broadcast_in_dim3A, %div3A_20 : vector<1x32xf32>
    %sub3A = vector.broadcast %div3A_21 : vector<1x32xf32> to vector<10000x32xf32>
    %sub3A_22 = arith.subf %add3A_12, %sub3A : vector<10000x32xf32>
    %integer_pow3A = arith.mulf %sub3A_22, %sub3A_22 : vector<10000x32xf32>
    %reduce_sum3A_23 = arith.constant dense<0.000000e+00> : vector<32xf32>
    %reduce_sum3A_24 = vector.multi_reduction <add>, %integer_pow3A, %reduce_sum3A_23 [0] : vector<10000x32xf32> to vector<32xf32>
    %broadcast_in_dim3A_25 = vector.shape_cast %reduce_sum3A_24 : vector<32xf32> to vector<1x32xf32>
    %div3A_26 = arith.constant 1.000000e+04 : f32
    %div3A_27 = vector.broadcast %div3A_26 : f32 to vector<1x32xf32>
    %div3A_28 = arith.divf %broadcast_in_dim3A_25, %div3A_27 : vector<1x32xf32>
    %sub3A_29 = vector.broadcast %div3A_21 : vector<1x32xf32> to vector<10000x32xf32>
    %sub3A_30 = arith.subf %add3A_12, %sub3A_29 : vector<10000x32xf32>
    %add3A_31 = arith.constant 1.000000e-03 : f32
    %add3A_32 = vector.broadcast %add3A_31 : f32 to vector<1x32xf32>
    %add3A_33 = arith.addf %div3A_28, %add3A_32 : vector<1x32xf32>
    %sqrt3A = math.sqrt %add3A_33 : vector<1x32xf32>
    %div3A_34 = vector.broadcast %sqrt3A : vector<1x32xf32> to vector<10000x32xf32>
    %div3A_35 = arith.divf %sub3A_30, %div3A_34 : vector<10000x32xf32>
    %mul3A = vector.broadcast %get3A_15 : vector<1x32xf32> to vector<10000x32xf32>
    %mul3A_36 = arith.mulf %div3A_35, %mul3A : vector<10000x32xf32>
    %add3A_37 = vector.broadcast %get3A_18 : vector<1x32xf32> to vector<10000x32xf32>
    %add3A_38 = arith.addf %mul3A_36, %add3A_37 : vector<10000x32xf32>
    %max3A = arith.constant 0.000000e+00 : f32
    %max3A_39 = vector.broadcast %max3A : f32 to vector<10000x32xf32>
    %max3A_40 = arith.maximumf %add3A_38, %max3A_39 : vector<10000x32xf32>
    %get3A_41 = arith.constant 0 : index
    %get3A_42 = arith.constant 0 : index
    %get3A_43 = vector.load %arg4[%get3A_41, %get3A_42] : memref<32x32xf32, #tpu.memory_space<vmem>>, vector<32x32xf32>
    %dot_general3A = arith.constant dense<0.000000e+00> : vector<10000x32xf32>
    %dot_general3A_44 = tpu.matmul %max3A_40, %get3A_43, %dot_general3A {dimension_numbers = #tpu.dot_dimension_numbers<[1], [0], [0], [1], [0, 0, 1, 1], [], []>, transpose_lhs_hint = false} : vector<10000x32xf32>, vector<32x32xf32>, vector<10000x32xf32> -> vector<10000x32xf32>
    %swap3A = arith.constant 0 : index
    %swap3A_45 = arith.constant 0 : index
    %swap3A_46 = vector.load %arg6[%swap3A, %swap3A_45] : memref<10000x32xf32, #tpu.memory_space<vmem>>, vector<10000x32xf32>
    tpu.vector_store %arg6[%swap3A, %swap3A_45], %dot_general3A_44 {strides = array<i32>} : memref<10000x32xf32, #tpu.memory_space<vmem>>, vector<10000x32xf32>,
    %get3A_47 = arith.constant 0 : index
    %get3A_48 = arith.constant 0 : index
    %get3A_49 = vector.load %arg5[%get3A_47, %get3A_48] : memref<32x32xf32, #tpu.memory_space<vmem>>, vector<32x32xf32>
    %dot_general3A_50 = arith.constant dense<0.000000e+00> : vector<10000x32xf32>
    %dot_general3A_51 = tpu.matmul %max3A_40, %get3A_49, %dot_general3A_50 {dimension_numbers = #tpu.dot_dimension_numbers<[1], [0], [0], [1], [0, 0, 1, 1], [], []>, transpose_lhs_hint = false} : vector<10000x32xf32>, vector<32x32xf32>, vector<10000x32xf32> -> vector<10000x32xf32>
    %swap3A_52 = arith.constant 0 : index
    %swap3A_53 = arith.constant 0 : index
    %swap3A_54 = vector.load %arg7[%swap3A_52, %swap3A_53] : memref<10000x32xf32, #tpu.memory_space<vmem>>, vector<10000x32xf32>
    tpu.vector_store %arg7[%swap3A_52, %swap3A_53], %dot_general3A_51 {strides = array<i32>} : memref<10000x32xf32, #tpu.memory_space<vmem>>, vector<10000x32xf32>,
    return
  }
}

module attributes {stable_mosaic.version = 14 : i64} {
  func.func @body(%arg0: memref<10000x32xf32, #tpu.memory_space<vmem>>, %arg1: memref<2x10240x32xf32, #tpu.memory_space<vmem>>, %arg2: memref<1x32xf32, #tpu.memory_space<vmem>>, %arg3: memref<1x32xf32, #tpu.memory_space<vmem>>, %arg4: memref<32x1xf32, #tpu.memory_space<vmem>>, %arg5: memref<1x1xf32, #tpu.memory_space<vmem>>, %arg6: memref<10000x1xf32, #tpu.memory_space<vmem>>) attributes {dimension_semantics = [], scalar_prefetch = 0 : i64, scratch_operands = 0 : i64, tpu.core_type = #tpu.core_type<tc>} {
    %get3A = arith.constant 0 : index
    %get3A_0 = arith.constant 0 : index
    %get3A_1 = vector.load %arg0[%get3A, %get3A_0] : memref<10000x32xf32, #tpu.memory_space<vmem>>, vector<10000x32xf32>
    %get3A_2 = arith.constant 0 : index
    %get3A_3 = arith.constant 0 : index
    %get3A_4 = arith.constant 0 : index
    %get3A_5 = vector.load %arg1[%get3A_2, %get3A_3, %get3A_4] : memref<2x10240x32xf32, #tpu.memory_space<vmem>>, vector<1x10000x32xf32>
    %get3A_6 = vector.shape_cast %get3A_5 : vector<1x10000x32xf32> to vector<10000x32xf32>
    %add3A = arith.addf %get3A_1, %get3A_6 : vector<10000x32xf32>
    %get3A_7 = arith.constant 1 : index
    %get3A_8 = arith.constant 0 : index
    %get3A_9 = arith.constant 0 : index
    %get3A_10 = vector.load %arg1[%get3A_7, %get3A_8, %get3A_9] : memref<2x10240x32xf32, #tpu.memory_space<vmem>>, vector<1x10000x32xf32>
    %get3A_11 = vector.shape_cast %get3A_10 : vector<1x10000x32xf32> to vector<10000x32xf32>
    %add3A_12 = arith.addf %add3A, %get3A_11 : vector<10000x32xf32>
    %get3A_13 = arith.constant 0 : index
    %get3A_14 = arith.constant 0 : index
    %get3A_15 = vector.load %arg2[%get3A_13, %get3A_14] : memref<1x32xf32, #tpu.memory_space<vmem>>, vector<1x32xf32>
    %get3A_16 = arith.constant 0 : index
    %get3A_17 = arith.constant 0 : index
    %get3A_18 = vector.load %arg3[%get3A_16, %get3A_17] : memref<1x32xf32, #tpu.memory_space<vmem>>, vector<1x32xf32>
    %reduce_sum3A = arith.constant dense<0.000000e+00> : vector<32xf32>
    %reduce_sum3A_19 = vector.multi_reduction <add>, %add3A_12, %reduce_sum3A [0] : vector<10000x32xf32> to vector<32xf32>
    %broadcast_in_dim3A = vector.shape_cast %reduce_sum3A_19 : vector<32xf32> to vector<1x32xf32>
    %div3A = arith.constant 1.000000e+04 : f32
    %div3A_20 = vector.broadcast %div3A : f32 to vector<1x32xf32>
    %div3A_21 = arith.divf %broadcast_in_dim3A, %div3A_20 : vector<1x32xf32>
    %sub3A = vector.broadcast %div3A_21 : vector<1x32xf32> to vector<10000x32xf32>
    %sub3A_22 = arith.subf %add3A_12, %sub3A : vector<10000x32xf32>
    %integer_pow3A = arith.mulf %sub3A_22, %sub3A_22 : vector<10000x32xf32>
    %reduce_sum3A_23 = arith.constant dense<0.000000e+00> : vector<32xf32>
    %reduce_sum3A_24 = vector.multi_reduction <add>, %integer_pow3A, %reduce_sum3A_23 [0] : vector<10000x32xf32> to vector<32xf32>
    %broadcast_in_dim3A_25 = vector.shape_cast %reduce_sum3A_24 : vector<32xf32> to vector<1x32xf32>
    %div3A_26 = arith.constant 1.000000e+04 : f32
    %div3A_27 = vector.broadcast %div3A_26 : f32 to vector<1x32xf32>
    %div3A_28 = arith.divf %broadcast_in_dim3A_25, %div3A_27 : vector<1x32xf32>
    %sub3A_29 = vector.broadcast %div3A_21 : vector<1x32xf32> to vector<10000x32xf32>
    %sub3A_30 = arith.subf %add3A_12, %sub3A_29 : vector<10000x32xf32>
    %add3A_31 = arith.constant 1.000000e-03 : f32
    %add3A_32 = vector.broadcast %add3A_31 : f32 to vector<1x32xf32>
    %add3A_33 = arith.addf %div3A_28, %add3A_32 : vector<1x32xf32>
    %sqrt3A = math.sqrt %add3A_33 : vector<1x32xf32>
    %div3A_34 = vector.broadcast %sqrt3A : vector<1x32xf32> to vector<10000x32xf32>
    %div3A_35 = arith.divf %sub3A_30, %div3A_34 : vector<10000x32xf32>
    %mul3A = vector.broadcast %get3A_15 : vector<1x32xf32> to vector<10000x32xf32>
    %mul3A_36 = arith.mulf %div3A_35, %mul3A : vector<10000x32xf32>
    %add3A_37 = vector.broadcast %get3A_18 : vector<1x32xf32> to vector<10000x32xf32>
    %add3A_38 = arith.addf %mul3A_36, %add3A_37 : vector<10000x32xf32>
    %max3A = arith.constant 0.000000e+00 : f32
    %max3A_39 = vector.broadcast %max3A : f32 to vector<10000x32xf32>
    %max3A_40 = arith.maximumf %add3A_38, %max3A_39 : vector<10000x32xf32>
    %get3A_41 = arith.constant 0 : index
    %get3A_42 = arith.constant 0 : index
    %get3A_43 = vector.load %arg4[%get3A_41, %get3A_42] : memref<32x1xf32, #tpu.memory_space<vmem>>, vector<32x1xf32>
    %dot_general3A = arith.constant dense<0.000000e+00> : vector<10000x1xf32>
    %dot_general3A_44 = tpu.matmul %max3A_40, %get3A_43, %dot_general3A {dimension_numbers = #tpu.dot_dimension_numbers<[1], [0], [0], [1], [0, 0, 1, 1], [], []>, transpose_lhs_hint = false} : vector<10000x32xf32>, vector<32x1xf32>, vector<10000x1xf32> -> vector<10000x1xf32>
    %get3A_45 = arith.constant 0 : index
    %get3A_46 = arith.constant 0 : index
    %get3A_47 = vector.load %arg5[%get3A_45, %get3A_46] : memref<1x1xf32, #tpu.memory_space<vmem>>, vector<1x1xf32>
    %add3A_48 = vector.broadcast %get3A_47 : vector<1x1xf32> to vector<10000x1xf32>
    %add3A_49 = arith.addf %dot_general3A_44, %add3A_48 : vector<10000x1xf32>
    %logistic3A = arith.negf %add3A_49 : vector<10000x1xf32>
    %logistic3A_50 = math.exp %logistic3A : vector<10000x1xf32>
    %logistic3A_51 = arith.constant 1.000000e+00 : f32
    %logistic3A_52 = vector.broadcast %logistic3A_51 : f32 to vector<10000x1xf32>
    %logistic3A_53 = arith.addf %logistic3A_52, %logistic3A_50 : vector<10000x1xf32>
    %logistic3A_54 = arith.divf %logistic3A_52, %logistic3A_53 : vector<10000x1xf32>
    %swap3A = arith.constant 0 : index
    %swap3A_55 = arith.constant 0 : index
    %swap3A_56 = vector.load %arg6[%swap3A, %swap3A_55] : memref<10000x1xf32, #tpu.memory_space<vmem>>, vector<10000x1xf32>
    tpu.vector_store %arg6[%swap3A, %swap3A_55], %logistic3A_54 {strides = array<i32>} : memref<10000x1xf32, #tpu.memory_space<vmem>>, vector<10000x1xf32>,
    return
  }
}

</mosaic_0001>

<sc_bundles>
// kernel: kernel.10.cloned.1.call-start
scs
__scs_entry_jumppad:
0x0: {  	(pc) =	sbr.rel $0x88, $3  }
0x1: {  	(tag) =	ssettag $0x0;
	lr =	simm.s32 $0x1  }
0x2: {  	[smem:$0x3F95] =	sst lr;
	_ =	strace $0xD0000000  }
0x3: {  	_ = 	snop  }
0x4: {  	_ = 	snop  }
0x5: {  	_ = 	snop  }
0x6: {  	_ = 	snop  }
0x7: {  	_ = 	snop  }
__scs_overlays_trampoline_lowered:
0x8: {  	[smem:$0x3FA4] =	sst s0  }
0x9: {  	[smem:$0x3FA5] =	sst s1  }
0xa: {  	[smem:$0x3FA6] =	sst s2  }
0xb: {  	[smem:$0x3FA7] =	sst s3  }
0xc: {  	[smem:$0x3FA8] =	sst s4  }
0xd: {  	[smem:$0x3FA9] =	sst s5  }
0xe: {  	[smem:$0x3FAA] =	sst s6  }
0xf: {  	[smem:$0x3FAB] =	sst s7  }
0x10: {  	[smem:$0x3FAC] =	sst s8  }
0x11: {  	[smem:$0x3FAD] =	sst s9;
	s0 =	simm.s32 @!p0 $0x0  }
0x12: {  	s1 =	sld [smem:$0x3F93];
	s0 =	simm.s32 @p0 $0x1  }
0x13: {  	[smem:$0x3FAE] =	sst s0;
	s0 =	simm.s32 @!p1 $0x0  }
0x14: {  	s2 =	sld [smem:$0x3F92];
	s0 =	simm.s32 @p1 $0x1  }
0x15: {  	[smem:$0x3FAF] =	sst s0;
	s0 =	simm.s32 @!p2 $0x0  }
0x16: {  	s3 =	sld [smem:$0x3FDB];
	s0 =	simm.s32 @p2 $0x1  }
0x17: {  	s4 =	simm.s32 $0x1BF5;
	[smem:$0x3FB1] =	sst s0  }
0x18: {  	s0 =	sld [smem:$0x3F94];
	_ =	swait.ge [sflag:s4], $0x0  }
0x19: {  	s7 =	sld [smem:$0x3F95]  }
0x1a: {  	s8 =	sadd.s32 $0xFFFFE003, lr  }
0x1b: {  	s9 =	sadd.s32 $0xFFFFFEF7, lr;
	s5 =	simm.s32 $0xFFFFFFFF;
	p2 =	slt.u32 s8, $0xFFFFF086  }
0x1c: {  	p1 =	slt.u32 s9, $0xF7A;
	s5 =	simm.s32 @!p2 $0x0  }
0x1d: {  	s5 =	simm.s32 @p1 $0x1;
	p0 =	seq.s32 s7, s2  }
0x1e: {  	s7 =	smul.u32 @!p0 $0xF7A, s2;
	p2 =	seq.s32 @!p0 s5, $0x0  }
0x1f: {  	s9 =	smul.u32 $0xF7A, s1;
	s8 =	simm.s32 @!p0 $0x1BF5;
	p2 =	por !p2, p0  }
0x20: {  	[sflag:s8] =	ssyncset.s32 @!p0 $0xFFFFF086;
	s6 =	sadd.s32 @!p0 s3, s7;
	s7 =	simm.s32 @!p0 $0x108  }
0x21: {  	s3 =	sadd.s32 s3, s9;
	s6 =	sadd.s32 @!p0 $0x88, s6;
	s7 =	simm.s32 @p2 $0x1082  }
0x22: {  	[simem:s7], [sflag:s8] =	dma.local @!p0 [hbm:s6], $0xF7A  }
0x23: {  	s9 =	sor.u32 $0xD0000000, s2;
	s6 =	simm.s32 $0x108;
	_ =	swait.ge @!p0 [sflag:s8], $0x0  }
0x24: {  	s3 =	sadd.s32 $0x88, s3;
	s6 =	simm.s32 @!p1 $0x1082;
	[sflag:s4] =	ssyncset.s32 $0xFFFFF086  }
0x25: {  	[simem:s6], [sflag:s4] =	dma.local [hbm:s3], $0xF7A  }
0x26: {  	[smem:$0x3F95] =	sst s1;
	(tag) =	ssettag s2;
	_ =	strace s9  }
0x27: {  	s1 =	sld [smem:$0x3FA5]  }
0x28: {  	s2 =	sld [smem:$0x3FA6]  }
0x29: {  	s4 =	sld [smem:$0x3FA8]  }
0x2a: {  	p0 =	seq.s32 s5, $0x0;
	s5 =	sld [smem:$0x3FA9]  }
0x2b: {  	s6 =	sld [smem:$0x3FAA]  }
0x2c: {  	s7 =	sld [smem:$0x3FAB]  }
0x2d: {  	s3 =	simm.s32 $0x108;
	s8 =	sld [smem:$0x3FAC]  }
0x2e: {  	s3 =	simm.s32 @!p0 $0x1082;
	s9 =	sld [smem:$0x3FAD]  }
0x2f: {  	lr =	sadd.s32 s0, s3;
	s0 =	sld [smem:$0x3FA4]  }
0x30: {  	s3 =	sld [smem:$0x3FA7]  }
0x31: {  	[smem:$0x3FB0] =	sst s10  }
0x32: {  	s10 =	sld [smem:$0x3FAE];
	_ =	sdelay $0x3  }
0x33: {  	p0 =	seq.s32 s10, $0x1;
	s10 =	sld [smem:$0x3FB0];
	_ =	sdelay $0x3  }
0x34: {  	[smem:$0x3FB0] =	sst s10  }
0x35: {  	s10 =	sld [smem:$0x3FAF];
	_ =	sdelay $0x3  }
0x36: {  	p1 =	seq.s32 s10, $0x1;
	s10 =	sld [smem:$0x3FB0];
	_ =	sdelay $0x3  }
0x37: {  	[smem:$0x3FB0] =	sst s10  }
0x38: {  	s10 =	sld [smem:$0x3FB1]  }
0x39: {  	_ = 	snop;
	(pc) =	sbr.ind lr, $3  }
0x3a: {  	_ = 	snop  }
0x3b: {  	_ = 	snop  }
0x3c: {  	p2 =	seq.s32 s10, $0x1;
	s10 =	sld [smem:$0x3FB0]  }
0x3d: {  	_ =	shalt  }
0x3e: {  	_ =	shalt  }
0x3f: {  	_ =	shalt  }
0x40: {  	_ =	shalt  }
0x41: {  	_ =	shalt  }
0x42: {  	_ =	shalt  }
0x43: {  	_ =	shalt  }
0x44: {  	_ =	shalt  }
0x45: {  	_ =	shalt  }
0x46: {  	_ =	shalt  }
0x47: {  	_ =	shalt  }
0x48: {  	_ =	shalt  }
0x49: {  	_ =	shalt  }
0x4a: {  	_ =	shalt  }
0x4b: {  	_ =	shalt  }
0x4c: {  	_ =	shalt  }
0x4d: {  	_ =	shalt  }
0x4e: {  	_ =	shalt  }
0x4f: {  	_ =	shalt  }
0x50: {  	_ =	shalt  }
0x51: {  	_ =	shalt  }
0x52: {  	_ =	shalt  }
0x53: {  	_ =	shalt  }
0x54: {  	_ =	shalt  }
0x55: {  	_ =	shalt  }
0x56: {  	_ =	shalt  }
0x57: {  	_ =	shalt  }
0x58: {  	_ =	shalt  }
0x59: {  	_ =	shalt  }
0x5a: {  	_ =	shalt  }
0x5b: {  	_ =	shalt  }
0x5c: {  	_ =	shalt  }
0x5d: {  	_ =	shalt  }
0x5e: {  	_ =	shalt  }
0x5f: {  	_ =	shalt  }
0x60: {  	_ =	shalt  }
0x61: {  	_ =	shalt  }
0x62: {  	_ =	shalt  }
0x63: {  	_ =	shalt  }
0x64: {  	_ =	shalt  }
0x65: {  	_ =	shalt  }
0x66: {  	_ =	shalt  }
0x67: {  	_ =	shalt  }
0x68: {  	_ =	shalt  }
0x69: {  	_ =	shalt  }
0x6a: {  	_ =	shalt  }
0x6b: {  	_ =	shalt  }
0x6c: {  	_ =	shalt  }
0x6d: {  	_ =	shalt  }
0x6e: {  	_ =	shalt  }
0x6f: {  	_ =	shalt  }
0x70: {  	_ =	shalt  }
0x71: {  	_ =	shalt  }
0x72: {  	_ =	shalt  }
0x73: {  	_ =	shalt  }
0x74: {  	_ =	shalt  }
0x75: {  	_ =	shalt  }
0x76: {  	_ =	shalt  }
0x77: {  	_ =	shalt  }
0x78: {  	_ =	shalt  }
0x79: {  	_ =	shalt  }
0x7a: {  	_ =	shalt  }
0x7b: {  	_ =	shalt  }
0x7c: {  	_ =	shalt  }
0x7d: {  	_ =	shalt  }
0x7e: {  	_ =	shalt  }
0x7f: {  	_ =	shalt  }
0x80: {  	_ =	shalt  }
0x81: {  	_ =	shalt  }
0x82: {  	_ =	shalt  }
0x83: {  	_ =	shalt  }
0x84: {  	_ =	shalt  }
0x85: {  	_ =	shalt  }
0x86: {  	_ =	shalt  }
0x87: {  	_ =	shalt  }
.Lfunc_end0:
.L_simem_size_0:
called_computation.1_lowered:
.L_overlay_start_0:
0x88: {  	s2 =	sld [smem:$0x3FD9]  }
0x89: {  	s3 =	sld [smem:$0x3FFE];
	_ =	sdelay $0x1  }
0x8a: {  	s1 =	srdreg.scid  }
0x8b: {  	s0 =	sand.u32 $0x1, s1  }
0x8c: {  	s16 =	sshll.u32 s0, $0xA;
	s2 =	sadd.s32 s3, s2  }
0x8d: {  	s2 =	sadd.s32 s2, s16  }
0x8e: {  	[smem:$0x3FBC] =	sst s2  }
0x8f: {  	_ = 	snop  }
0x90: {  	(tm) =	ssettm $0x1  }
0x91: {  	s17 =	sld [smem:$0x3FFB];
	_ =	sdelay $0x3  }
0x92: {  	_ =	strace s17  }
0x93: {  	s2 =	sld [smem:$0x3FFC];
	_ =	sdelay $0x3  }
0x94: {  	_ =	strace s2  }
0x95: {  	s2 =	sld [smem:$0x3FFD];
	_ =	sdelay $0x3  }
0x96: {  	_ =	strace s2  }
0x97: {  	_ =	strace $0x8FFFFFFF  }
0x98: {  	s18 =	sld [smem:$0x3FDB];
	_ =	sdelay $0x1  }
0x99: {  	s19 =	simm.s32 $_scs_section_size  }
0x9a: {  	s4 =	simm.s32 $_size__tile_overlayer_lowered;
	s5 =	simm.s32 $_tile_overlayer_lowered  }
0x9b: {  	s22 =	simm.s32 $0x1BFF;
	s21 =	sshll.u32 s5, $0x1;
	s2 =	sadd.s32 s19, s18  }
0x9c: {  	s6 =	simm.s32 $0x0;
	s20 =	sshll.u32 s4, $0x1;
	s4 =	sadd.s32 s21, s2  }
0x9d: {  	[timem:s6], [sflag:s22] =	dma.local [hbm:s4], s20  }
0x9e: {  	_ =	swait.ge [sflag:s22], s20  }
0x9f: {  	s3 =	ssub.s32 $0x0, s20;
	[sflag:s22] =	ssyncset.done $0x0  }
0xa0: {  	[sflag:s22] =	ssyncadd.s32 s3;
	_ =	sdelay $0x1  }
0xa1: {  	s23 =	simm.s32 $0x1B8B  }
0xa2: {  	_ =	swait.ge [sflag:s23], $0x1  }
0xa3: {  	[sflag:s23] =	ssyncset.done $0x0  }
0xa4: {  	s25 =	simm.s32 $0x1B8E;
	s24 =	sld [smem:$0x3FFE];
	[sflag:s23] =	ssyncadd.s32 $0xFFFFFFFF  }
0xa5: {  	s26 =	simm.s32 $execute0_lowered;
	[smem:$0x3FD2] =	sst s25  }
0xa6: {  	s4 =	sshll.u32 s26, $0x1;
	_ =	strace $0x80000049;
	[dreg:$0x1] =	wrdreg $0xFFFFFFFF  }
0xa7: {  	s28 =	simm.s32 $_size_execute0_lowered;
	s2 =	sadd.s32 s2, s4;
	[dreg:$0x0] =	wrdreg $0x0  }
0xa8: {  	s4 =	sshll.u32 s28, $0x1;
	[dreg:$0x2] =	wrdreg s2  }
0xa9: {  	[dreg:$0x3] =	wrdreg s4  }
0xaa: {  	[dreg:$0x4] =	wrdreg $0xC0  }
0xab: {  	_ =	task [dreg:s6], $0x5FFFF  }
0xac: {  	[dreg:$0x1] =	wrdreg $0xFFFFFFFF  }
0xad: {  	[dreg:$0x0] =	wrdreg $0x60  }
0xae: {  	[dreg:$0x2] =	wrdreg s24  }
0xaf: {  	[dreg:$0x3] =	wrdreg $0xD0000  }
0xb0: {  	[dreg:$0x4] =	wrdreg $0x9  }
0xb1: {  	_ =	task.clear_ibuf [dreg:s6], $0x5FFFF;
	_ =	strace $0x90000049  }
0xb2: {  	s29 =	simm.s32 $0x9;
	_ =	strace $0x8000004B  }
0xb3: {  	_ =	swait.ge [sflag:s29], $0x1  }
0xb4: {  	[sflag:s29] =	ssyncadd.s32 $0xFFFFFFFF  }
0xb5: {  	_ =	strace $0x9000004B  }
0xb6: {  	_ =	sfence  }
0xb7: {  	s30 =	sld [smem:$0x0];
	_ =	sdelay $0x2  }
0xb8: {  	s31 =	sshll.u32 s1, $0xD;
	s1 =	sshrl.u32 s1, $0x2  }
0xb9: {  	s3 =	sand.u32 $0x4000, s31;
	s1 =	sadd.s32 s1, s30  }
0xba: {  	s0 =	sor.u32 s3, s0;
	s1 =	sshll.u32 s1, $0x11  }
0xbb: {  	s0 =	sor.u32 s1, s0  }
0xbc: {  	s0 =	sadd.s32 $0x8F2B, s0  }
0xbd: {  	[sflag:s0] =	ssyncadd.remote.s32 $0x1  }
0xbe: {  	_ =	sfence.sel $0xFFFF  }
0xbf: {  	[dreg:$0x0] =	wrdreg $0xFFFFFFFF;
	(pc) =	sbr.abs _section_cstart, $3  }
0xc0: {  	[dreg:$0x1] =	wrdreg $0xFFFFFFFF  }
0xc1: {  	_ =	task.clear_ibuf [dreg:s6], $0x2FFFF;
	_ =	strace $0x9FFFFFFF  }
0xc2: {  	(tm) =	ssettm $0x7FFFFFFF  }
0xc3: {  	_ =	shalt  }
tec
execute0_lowered:
.L_overlay_start_1:
0x0: {  	(tag) =	ssettag $0x1  }
0x1: {  	s1 =	srdreg.scid  }
0x2: {  	s0 =	stileid.u32;
	s6 =	rddreg [dreg:$0x0]  }
0x3: {  	s2 =	rddreg [dreg:$0x1];
	s3 =	simm.s32 $0x0;
	s14 =	simm.s32 $0x80  }
0x4: {  	s15 =	simm.s32 $0x5000;
	s16 =	simm.s32 $0x6000;
	s17 =	simm.s32 $0x7000  }
0x5: {  	s18 =	simm.s32 $0x8000;
	s19 =	simm.s32 $0x9000;
	s20 =	simm.s32 $0xA000  }
0x6: {  	s21 =	simm.s32 $0xB000;
	s22 =	simm.s32 $0xC000;
	s23 =	simm.s32 $0x1  }
0x7: {  	s24 =	simm.s32 $0x2;
	s25 =	simm.s32 $0x0;
	s5 =	sand.u32 $0x1, s1  }
0x8: {  	s31 =	sshll.u32 s0, $0x1;
	s8 =	smul.u32 $0x5000, s0;
	[smem:$0x7FF] =	sst s3  }
0x9: {  	s4 =	sadd.s32 $0x1600, s6;
	s12 =	sshll.u32 s0, $0x6;
	s1 =	sor.u32 s5, s31  }
0xa: {  	s9 =	smul.u32 $0x50000, s5;
	s10 =	ssub.s32 $0x2, s5;
	s5 =	sadd.s32 $0x1F400, s6  }
0xb: {  	s12 =	sor.u32 $0x1C03, s12;
	s7 =	smul.u32 $0x500, s1;
	s1 =	rddreg [dreg:$0x2]  }
0xc: {  	_ =	strace $0x8000004A;
	s11 =	sshrl.u32 s10, $0x1;
	s13 =	sadd.s32 s8, s2  }
0xd: {  	s9 =	sadd.s32 s8, s9;
	s10 =	ssub.s32 s10, s11;
	s11 =	simm.s32 $0x2800  }
0xe: {  	s13 =	sshrl.u32 s13, $0x3;
	s7 =	sadd.s32 s7, s6;
	s9 =	sshrl.u32 s9, $0x3  }
0xf: {  	s9 =	sadd.s32 s9, s6;
	s6 =	sadd.s32 $0xB400, s7;
	s7 =	sadd.s32 $0x15400, s7  }
0x10: {  	s8 =	sadd.s32 $0x1FE00, s9;
	s9 =	smax.u32 s10, $0x1;
	s10 =	simm.s32 $0x3  }
.LBB2_1:
0x11: {  	[tilespmem:s3], [sflag:$0x3] =	stream.linear.gather [hbm4b:s6+s3], $0x2800, $0x38;
	[tilespmem:$0x12000] =	vst v63  }
0x12: {  	_ =	swait.ge [sflag:s10], $0x2800  }
0x13: {  	[sflag:s10] =	ssyncset.done $0x0  }
0x14: {  	[sflag:s10] =	ssyncadd.s32 $0xFFFFD800  }
0x15: {  	[tilespmem:s11], [sflag:$0x3] =	stream.linear.gather [hbm4b:s7+s3], $0x2800, $0x38;
	[tilespmem:$0x12000] =	vst v63  }
0x16: {  	_ =	swait.ge [sflag:s10], $0x2800  }
0x17: {  	[sflag:s10] =	ssyncset.done $0x0  }
0x18: {  	[sflag:s10] =	ssyncadd.s32 $0xFFFFD800  }
0x19: {  	[spmem:s13], [sflag:s12] =	dma.local [hbm:s5], $0xA00  }
0x1a: {  	_ =	swait.ge [sflag:s10], $0xA00  }
0x1b: {  	[sflag:s10] =	ssyncset.done $0x0  }
0x1c: {  	[sflag:s10] =	ssyncadd.s32 $0xFFFFF600  }
0x1d: {  	s26 =	simm.s32 $0x0;
	[bflag:$0x0] =	sbarrier.arrive $0xFFFF  }
0x1e: {  	[tilespmem:s15], [sflag:$0x1] =	stream.indirect.gather [hbm4b:s4+s14], $0x20, s26, s14, $0xb8;
	[tilespmem:$0x12000] =	vst v63  }
0x1f: {  	s28 =	simm.s32 $0x80  }
0x20: {  	[tilespmem:s16], [sflag:$0x1] =	stream.indirect.gather [hbm4b:s4+s14], $0x20, s28, s14, $0xb8;
	[tilespmem:$0x12000] =	vst v63  }
0x21: {  	s29 =	simm.s32 $0x100  }
0x22: {  	[tilespmem:s17], [sflag:$0x1] =	stream.indirect.gather [hbm4b:s4+s14], $0x20, s29, s14, $0xb8;
	[tilespmem:$0x12000] =	vst v63  }
0x23: {  	s31 =	simm.s32 $0x180  }
0x24: {  	[tilespmem:s18], [sflag:$0x1] =	stream.indirect.gather [hbm4b:s4+s14], $0x20, s31, s14, $0xb8;
	[tilespmem:$0x12000] =	vst v63  }
0x25: {  	s28 =	simm.s32 $0x200  }
0x26: {  	[tilespmem:s19], [sflag:$0x1] =	stream.indirect.gather [hbm4b:s4+s14], $0x20, s28, s14, $0xb8;
	[tilespmem:$0x12000] =	vst v63  }
0x27: {  	s29 =	simm.s32 $0x280  }
0x28: {  	[tilespmem:s20], [sflag:$0x1] =	stream.indirect.gather [hbm4b:s4+s14], $0x20, s29, s14, $0xb8;
	[tilespmem:$0x12000] =	vst v63  }
0x29: {  	s31 =	simm.s32 $0x300  }
0x2a: {  	[tilespmem:s21], [sflag:$0x1] =	stream.indirect.gather [hbm4b:s4+s14], $0x20, s31, s14, $0xb8;
	[tilespmem:$0x12000] =	vst v63  }
0x2b: {  	s28 =	simm.s32 $0x380  }
0x2c: {  	[tilespmem:s22], [sflag:$0x1] =	stream.indirect.gather [hbm4b:s4+s14], $0x20, s28, s14, $0xb8;
	[tilespmem:$0x12000] =	vst v63  }
0x2d: {  	_ =	swait.ge [sflag:s23], $0x1000  }
0x2e: {  	[sflag:s23] =	ssyncset.done $0x0  }
0x2f: {  	s29 =	simm.s32 $0x2800;
	[sflag:s23] =	ssyncadd.s32 $0xFFFFF000  }
0x30: {  	[spmem:s2] =	stream.indirect.scatter.add.f32 [tilespmem:s15], [sflag:$0x2], $0x20, s29, s14, $0xb8;
	[tilespmem:$0x12000] =	vst v63  }
0x31: {  	_ =	swait.ge [sflag:s23], $0x1000  }
0x32: {  	[sflag:s23] =	ssyncset.done $0x0  }
0x33: {  	s31 =	simm.s32 $0x2880;
	[sflag:s23] =	ssyncadd.s32 $0xFFFFF000  }
0x34: {  	[spmem:s2] =	stream.indirect.scatter.add.f32 [tilespmem:s16], [sflag:$0x2], $0x20, s31, s14, $0xb8;
	[tilespmem:$0x12000] =	vst v63  }
0x35: {  	_ =	swait.ge [sflag:s23], $0x1000  }
0x36: {  	[sflag:s23] =	ssyncset.done $0x0  }
0x37: {  	s28 =	simm.s32 $0x2900;
	[sflag:s23] =	ssyncadd.s32 $0xFFFFF000  }
0x38: {  	[spmem:s2] =	stream.indirect.scatter.add.f32 [tilespmem:s17], [sflag:$0x2], $0x20, s28, s14, $0xb8;
	[tilespmem:$0x12000] =	vst v63  }
0x39: {  	_ =	swait.ge [sflag:s23], $0x1000  }
0x3a: {  	[sflag:s23] =	ssyncset.done $0x0  }
0x3b: {  	s29 =	simm.s32 $0x2980;
	[sflag:s23] =	ssyncadd.s32 $0xFFFFF000  }
0x3c: {  	[spmem:s2] =	stream.indirect.scatter.add.f32 [tilespmem:s18], [sflag:$0x2], $0x20, s29, s14, $0xb8;
	[tilespmem:$0x12000] =	vst v63  }
0x3d: {  	_ =	swait.ge [sflag:s23], $0x1000  }
0x3e: {  	[sflag:s23] =	ssyncset.done $0x0  }
0x3f: {  	s31 =	simm.s32 $0x2A00;
	[sflag:s23] =	ssyncadd.s32 $0xFFFFF000  }
0x40: {  	[spmem:s2] =	stream.indirect.scatter.add.f32 [tilespmem:s19], [sflag:$0x2], $0x20, s31, s14, $0xb8;
	[tilespmem:$0x12000] =	vst v63  }
0x41: {  	_ =	swait.ge [sflag:s23], $0x1000  }
0x42: {  	[sflag:s23] =	ssyncset.done $0x0  }
0x43: {  	s28 =	simm.s32 $0x2A80;
	[sflag:s23] =	ssyncadd.s32 $0xFFFFF000  }
0x44: {  	[spmem:s2] =	stream.indirect.scatter.add.f32 [tilespmem:s20], [sflag:$0x2], $0x20, s28, s14, $0xb8;
	[tilespmem:$0x12000] =	vst v63  }
0x45: {  	_ =	swait.ge [sflag:s23], $0x1000  }
0x46: {  	[sflag:s23] =	ssyncset.done $0x0  }
0x47: {  	s29 =	simm.s32 $0x2B00;
	[sflag:s23] =	ssyncadd.s32 $0xFFFFF000  }
0x48: {  	[spmem:s2] =	stream.indirect.scatter.add.f32 [tilespmem:s21], [sflag:$0x2], $0x20, s29, s14, $0xb8;
	[tilespmem:$0x12000] =	vst v63  }
0x49: {  	_ =	swait.ge [sflag:s23], $0x1000  }
0x4a: {  	[sflag:s23] =	ssyncset.done $0x0  }
0x4b: {  	s31 =	simm.s32 $0x2B80;
	[sflag:s23] =	ssyncadd.s32 $0xFFFFF000  }
0x4c: {  	[spmem:s2] =	stream.indirect.scatter.add.f32 [tilespmem:s22], [sflag:$0x2], $0x20, s31, s14, $0xb8;
	[tilespmem:$0x12000] =	vst v63  }
0x4d: {  	_ =	swait.ge [sflag:s24], $0x1000  }
0x4e: {  	[sflag:s24] =	ssyncset.done $0x0  }
0x4f: {  	[sflag:s24] =	ssyncadd.s32 $0xFFFFF000  }
0x50: {  	_ =	swait.ge [sflag:s24], $0x1000  }
0x51: {  	[sflag:s24] =	ssyncset.done $0x0  }
0x52: {  	[sflag:s24] =	ssyncadd.s32 $0xFFFFF000  }
0x53: {  	_ =	swait.ge [sflag:s24], $0x1000  }
0x54: {  	[sflag:s24] =	ssyncset.done $0x0  }
0x55: {  	[sflag:s24] =	ssyncadd.s32 $0xFFFFF000  }
0x56: {  	_ =	swait.ge [sflag:s24], $0x1000  }
0x57: {  	[sflag:s24] =	ssyncset.done $0x0  }
0x58: {  	[sflag:s24] =	ssyncadd.s32 $0xFFFFF000  }
0x59: {  	_ =	swait.ge [sflag:s24], $0x1000  }
0x5a: {  	[sflag:s24] =	ssyncset.done $0x0  }
0x5b: {  	[sflag:s24] =	ssyncadd.s32 $0xFFFFF000  }
0x5c: {  	_ =	swait.ge [sflag:s24], $0x1000  }
0x5d: {  	[sflag:s24] =	ssyncset.done $0x0  }
0x5e: {  	[sflag:s24] =	ssyncadd.s32 $0xFFFFF000  }
0x5f: {  	_ =	swait.ge [sflag:s24], $0x1000  }
0x60: {  	[sflag:s24] =	ssyncset.done $0x0  }
0x61: {  	[sflag:s24] =	ssyncadd.s32 $0xFFFFF000  }
0x62: {  	_ =	swait.ge [sflag:s24], $0x1000  }
0x63: {  	s30 =	simm.s32 $0x2000;
	s26 =	simm.s32 $0x1000;
	[sflag:s24] =	ssyncset.done $0x0  }
.LBB2_2:
0x64: {  	s29 =	sshra.s32 s26, $0x2  }
0x65: {  	[sflag:s24] =	ssyncadd.s32 $0xFFFFF000;
	s26 =	smov.u32 s30;
	s28 =	sadd.s32 $0x1000, s30  }
0x66: {  	[tilespmem:s15], [sflag:$0x1] =	stream.indirect.gather [hbm4b:s4+s14], $0x20, s29, s14, $0xb8;
	[tilespmem:$0x12000] =	vst v63  }
0x67: {  	p0 =	sne.s32 s30, $0x9000;
	s30 =	sadd.s32 $0x80, s29  }
0x68: {  	[tilespmem:s16], [sflag:$0x1] =	stream.indirect.gather [hbm4b:s4+s14], $0x20, s30, s14, $0xb8;
	[tilespmem:$0x12000] =	vst v63  }
0x69: {  	s30 =	sadd.s32 $0x100, s29  }
0x6a: {  	[tilespmem:s17], [sflag:$0x1] =	stream.indirect.gather [hbm4b:s4+s14], $0x20, s30, s14, $0xb8;
	[tilespmem:$0x12000] =	vst v63  }
0x6b: {  	s30 =	sadd.s32 $0x180, s29  }
0x6c: {  	[tilespmem:s18], [sflag:$0x1] =	stream.indirect.gather [hbm4b:s4+s14], $0x20, s30, s14, $0xb8;
	[tilespmem:$0x12000] =	vst v63  }
0x6d: {  	s30 =	sadd.s32 $0x200, s29  }
0x6e: {  	[tilespmem:s19], [sflag:$0x1] =	stream.indirect.gather [hbm4b:s4+s14], $0x20, s30, s14, $0xb8;
	[tilespmem:$0x12000] =	vst v63  }
0x6f: {  	s30 =	sadd.s32 $0x280, s29  }
0x70: {  	[tilespmem:s20], [sflag:$0x1] =	stream.indirect.gather [hbm4b:s4+s14], $0x20, s30, s14, $0xb8;
	[tilespmem:$0x12000] =	vst v63  }
0x71: {  	s30 =	sadd.s32 $0x300, s29  }
0x72: {  	[tilespmem:s21], [sflag:$0x1] =	stream.indirect.gather [hbm4b:s4+s14], $0x20, s30, s14, $0xb8;
	[tilespmem:$0x12000] =	vst v63  }
0x73: {  	s30 =	sadd.s32 $0x380, s29  }
0x74: {  	[tilespmem:s22], [sflag:$0x1] =	stream.indirect.gather [hbm4b:s4+s14], $0x20, s30, s14, $0xb8;
	[tilespmem:$0x12000] =	vst v63  }
0x75: {  	_ =	swait.ge [sflag:s23], $0x1000  }
0x76: {  	[sflag:s23] =	ssyncset.done $0x0  }
0x77: {  	s30 =	sadd.s32 $0x2800, s29;
	[sflag:s23] =	ssyncadd.s32 $0xFFFFF000  }
0x78: {  	[spmem:s2] =	stream.indirect.scatter.add.f32 [tilespmem:s15], [sflag:$0x2], $0x20, s30, s14, $0xb8;
	[tilespmem:$0x12000] =	vst v63  }
0x79: {  	_ =	swait.ge [sflag:s23], $0x1000  }
0x7a: {  	[sflag:s23] =	ssyncset.done $0x0  }
0x7b: {  	s30 =	sadd.s32 $0x2880, s29;
	[sflag:s23] =	ssyncadd.s32 $0xFFFFF000  }
0x7c: {  	[spmem:s2] =	stream.indirect.scatter.add.f32 [tilespmem:s16], [sflag:$0x2], $0x20, s30, s14, $0xb8;
	[tilespmem:$0x12000] =	vst v63  }
0x7d: {  	_ =	swait.ge [sflag:s23], $0x1000  }
0x7e: {  	[sflag:s23] =	ssyncset.done $0x0  }
0x7f: {  	s30 =	sadd.s32 $0x2900, s29;
	[sflag:s23] =	ssyncadd.s32 $0xFFFFF000  }
0x80: {  	[spmem:s2] =	stream.indirect.scatter.add.f32 [tilespmem:s17], [sflag:$0x2], $0x20, s30, s14, $0xb8;
	[tilespmem:$0x12000] =	vst v63  }
0x81: {  	_ =	swait.ge [sflag:s23], $0x1000  }
0x82: {  	[sflag:s23] =	ssyncset.done $0x0  }
0x83: {  	s30 =	sadd.s32 $0x2980, s29;
	[sflag:s23] =	ssyncadd.s32 $0xFFFFF000  }
0x84: {  	[spmem:s2] =	stream.indirect.scatter.add.f32 [tilespmem:s18], [sflag:$0x2], $0x20, s30, s14, $0xb8;
	[tilespmem:$0x12000] =	vst v63  }
0x85: {  	_ =	swait.ge [sflag:s23], $0x1000  }
0x86: {  	[sflag:s23] =	ssyncset.done $0x0  }
0x87: {  	s30 =	sadd.s32 $0x2A00, s29;
	[sflag:s23] =	ssyncadd.s32 $0xFFFFF000  }
0x88: {  	[spmem:s2] =	stream.indirect.scatter.add.f32 [tilespmem:s19], [sflag:$0x2], $0x20, s30, s14, $0xb8;
	[tilespmem:$0x12000] =	vst v63  }
0x89: {  	_ =	swait.ge [sflag:s23], $0x1000  }
0x8a: {  	[sflag:s23] =	ssyncset.done $0x0  }
0x8b: {  	s30 =	sadd.s32 $0x2A80, s29;
	[sflag:s23] =	ssyncadd.s32 $0xFFFFF000  }
0x8c: {  	[spmem:s2] =	stream.indirect.scatter.add.f32 [tilespmem:s20], [sflag:$0x2], $0x20, s30, s14, $0xb8;
	[tilespmem:$0x12000] =	vst v63  }
0x8d: {  	_ =	swait.ge [sflag:s23], $0x1000  }
0x8e: {  	[sflag:s23] =	ssyncset.done $0x0  }
0x8f: {  	s30 =	sadd.s32 $0x2B00, s29;
	[sflag:s23] =	ssyncadd.s32 $0xFFFFF000  }
0x90: {  	[spmem:s2] =	stream.indirect.scatter.add.f32 [tilespmem:s21], [sflag:$0x2], $0x20, s30, s14, $0xb8;
	[tilespmem:$0x12000] =	vst v63  }
0x91: {  	_ =	swait.ge [sflag:s23], $0x1000  }
0x92: {  	[sflag:s23] =	ssyncset.done $0x0  }
0x93: {  	s29 =	sadd.s32 $0x2B80, s29;
	[sflag:s23] =	ssyncadd.s32 $0xFFFFF000  }
0x94: {  	[spmem:s2] =	stream.indirect.scatter.add.f32 [tilespmem:s22], [sflag:$0x2], $0x20, s29, s14, $0xb8;
	[tilespmem:$0x12000] =	vst v63  }
0x95: {  	_ =	swait.ge [sflag:s24], $0x1000  }
0x96: {  	[sflag:s24] =	ssyncset.done $0x0  }
0x97: {  	[sflag:s24] =	ssyncadd.s32 $0xFFFFF000  }
0x98: {  	_ =	swait.ge [sflag:s24], $0x1000  }
0x99: {  	[sflag:s24] =	ssyncset.done $0x0  }
0x9a: {  	[sflag:s24] =	ssyncadd.s32 $0xFFFFF000  }
0x9b: {  	_ =	swait.ge [sflag:s24], $0x1000  }
0x9c: {  	[sflag:s24] =	ssyncset.done $0x0  }
0x9d: {  	[sflag:s24] =	ssyncadd.s32 $0xFFFFF000  }
0x9e: {  	_ =	swait.ge [sflag:s24], $0x1000  }
0x9f: {  	[sflag:s24] =	ssyncset.done $0x0  }
0xa0: {  	[sflag:s24] =	ssyncadd.s32 $0xFFFFF000  }
0xa1: {  	_ =	swait.ge [sflag:s24], $0x1000  }
0xa2: {  	[sflag:s24] =	ssyncset.done $0x0  }
0xa3: {  	[sflag:s24] =	ssyncadd.s32 $0xFFFFF000  }
0xa4: {  	_ =	swait.ge [sflag:s24], $0x1000  }
0xa5: {  	[sflag:s24] =	ssyncset.done $0x0  }
0xa6: {  	[sflag:s24] =	ssyncadd.s32 $0xFFFFF000  }
.Ltmp0:
0xa7: {  	_ =	swait.ge [sflag:s24], $0x1000;
	(pc) =	sbr.rel @p0 .LBB2_2-.Ltmp0, $4  }
0xa8: {  	[sflag:s24] =	ssyncset.done $0x0  }
0xa9: {  	[sflag:s24] =	ssyncadd.s32 $0xFFFFF000  }
0xaa: {  	_ =	swait.ge [sflag:s24], $0x1000  }
0xab: {  	s30 =	smov.u32 s28;
	[sflag:s24] =	ssyncset.done $0x0  }
0xac: {  	s26 =	sshra.s32 s26, $0x2;
	[sflag:s24] =	ssyncadd.s32 $0xFFFFF000  }
0xad: {  	[tilespmem:s15], [sflag:$0x1] =	stream.indirect.gather [hbm4b:s4+s14], $0x20, s26, s14, $0xb8;
	[tilespmem:$0x12000] =	vst v63  }
0xae: {  	s28 =	sadd.s32 $0x80, s26  }
0xaf: {  	[tilespmem:s16], [sflag:$0x1] =	stream.indirect.gather [hbm4b:s4+s14], $0x20, s28, s14, $0xb8;
	[tilespmem:$0x12000] =	vst v63  }
0xb0: {  	s31 =	sadd.s32 $0x100, s26  }
0xb1: {  	[tilespmem:s17], [sflag:$0x1] =	stream.indirect.gather [hbm4b:s4+s14], $0x20, s31, s14, $0xb8;
	[tilespmem:$0x12000] =	vst v63  }
0xb2: {  	s29 =	sadd.s32 $0x180, s26  }
0xb3: {  	[tilespmem:s18], [sflag:$0x1] =	stream.indirect.gather [hbm4b:s4+s14], $0x20, s29, s14, $0xb8;
	[tilespmem:$0x12000] =	vst v63  }
0xb4: {  	s30 =	sadd.s32 $0x200, s26  }
0xb5: {  	[tilespmem:s19], [sflag:$0x1] =	stream.indirect.gather [hbm4b:s4+s14], $0x20, s30, s14, $0xb8;
	[tilespmem:$0x12000] =	vst v63  }
0xb6: {  	s31 =	sadd.s32 $0x280, s26  }
0xb7: {  	[tilespmem:s20], [sflag:$0x1] =	stream.indirect.gather [hbm4b:s4+s14], $0x20, s31, s14, $0xb8;
	[tilespmem:$0x12000] =	vst v63  }
0xb8: {  	s29 =	sadd.s32 $0x300, s26  }
0xb9: {  	[tilespmem:s21], [sflag:$0x1] =	stream.indirect.gather [hbm4b:s4+s14], $0x20, s29, s14, $0xb8;
	[tilespmem:$0x12000] =	vst v63  }
0xba: {  	s30 =	sadd.s32 $0x380, s26  }
0xbb: {  	[tilespmem:s22], [sflag:$0x1] =	stream.indirect.gather [hbm4b:s4+s14], $0x20, s30, s14, $0xb8;
	[tilespmem:$0x12000] =	vst v63  }
0xbc: {  	_ =	swait.ge [sflag:s23], $0x1000  }
0xbd: {  	[sflag:s23] =	ssyncset.done $0x0  }
0xbe: {  	s31 =	sadd.s32 $0x2800, s26;
	[sflag:s23] =	ssyncadd.s32 $0xFFFFF000  }
0xbf: {  	[spmem:s2] =	stream.indirect.scatter.add.f32 [tilespmem:s15], [sflag:$0x2], $0x20, s31, s14, $0xb8;
	[tilespmem:$0x12000] =	vst v63  }
0xc0: {  	_ =	swait.ge [sflag:s23], $0x1000  }
0xc1: {  	[sflag:s23] =	ssyncset.done $0x0  }
0xc2: {  	s29 =	sadd.s32 $0x2880, s26;
	[sflag:s23] =	ssyncadd.s32 $0xFFFFF000  }
0xc3: {  	[spmem:s2] =	stream.indirect.scatter.add.f32 [tilespmem:s16], [sflag:$0x2], $0x20, s29, s14, $0xb8;
	[tilespmem:$0x12000] =	vst v63  }
0xc4: {  	_ =	swait.ge [sflag:s23], $0x1000  }
0xc5: {  	[sflag:s23] =	ssyncset.done $0x0  }
0xc6: {  	s30 =	sadd.s32 $0x2900, s26;
	[sflag:s23] =	ssyncadd.s32 $0xFFFFF000  }
0xc7: {  	[spmem:s2] =	stream.indirect.scatter.add.f32 [tilespmem:s17], [sflag:$0x2], $0x20, s30, s14, $0xb8;
	[tilespmem:$0x12000] =	vst v63  }
0xc8: {  	_ =	swait.ge [sflag:s23], $0x1000  }
0xc9: {  	[sflag:s23] =	ssyncset.done $0x0  }
0xca: {  	s31 =	sadd.s32 $0x2980, s26;
	[sflag:s23] =	ssyncadd.s32 $0xFFFFF000  }
0xcb: {  	[spmem:s2] =	stream.indirect.scatter.add.f32 [tilespmem:s18], [sflag:$0x2], $0x20, s31, s14, $0xb8;
	[tilespmem:$0x12000] =	vst v63  }
0xcc: {  	_ =	swait.ge [sflag:s23], $0x1000  }
0xcd: {  	[sflag:s23] =	ssyncset.done $0x0  }
0xce: {  	s29 =	sadd.s32 $0x2A00, s26;
	[sflag:s23] =	ssyncadd.s32 $0xFFFFF000  }
0xcf: {  	[spmem:s2] =	stream.indirect.scatter.add.f32 [tilespmem:s19], [sflag:$0x2], $0x20, s29, s14, $0xb8;
	[tilespmem:$0x12000] =	vst v63  }
0xd0: {  	_ =	swait.ge [sflag:s23], $0x1000  }
0xd1: {  	[sflag:s23] =	ssyncset.done $0x0  }
0xd2: {  	s30 =	sadd.s32 $0x2A80, s26;
	[sflag:s23] =	ssyncadd.s32 $0xFFFFF000  }
0xd3: {  	[spmem:s2] =	stream.indirect.scatter.add.f32 [tilespmem:s20], [sflag:$0x2], $0x20, s30, s14, $0xb8;
	[tilespmem:$0x12000] =	vst v63  }
0xd4: {  	_ =	swait.ge [sflag:s23], $0x1000  }
0xd5: {  	[sflag:s23] =	ssyncset.done $0x0  }
0xd6: {  	s31 =	sadd.s32 $0x2B00, s26;
	[sflag:s23] =	ssyncadd.s32 $0xFFFFF000  }
0xd7: {  	[spmem:s2] =	stream.indirect.scatter.add.f32 [tilespmem:s21], [sflag:$0x2], $0x20, s31, s14, $0xb8;
	[tilespmem:$0x12000] =	vst v63  }
0xd8: {  	_ =	swait.ge [sflag:s23], $0x1000  }
0xd9: {  	[sflag:s23] =	ssyncset.done $0x0  }
0xda: {  	s26 =	sadd.s32 $0x2B80, s26;
	[sflag:s23] =	ssyncadd.s32 $0xFFFFF000  }
0xdb: {  	[spmem:s2] =	stream.indirect.scatter.add.f32 [tilespmem:s22], [sflag:$0x2], $0x20, s26, s14, $0xb8;
	[tilespmem:$0x12000] =	vst v63  }
0xdc: {  	_ =	swait.ge [sflag:s24], $0x1000  }
0xdd: {  	[sflag:s24] =	ssyncset.done $0x0  }
0xde: {  	[sflag:s24] =	ssyncadd.s32 $0xFFFFF000  }
0xdf: {  	_ =	swait.ge [sflag:s24], $0x1000  }
0xe0: {  	[sflag:s24] =	ssyncset.done $0x0  }
0xe1: {  	[sflag:s24] =	ssyncadd.s32 $0xFFFFF000  }
0xe2: {  	_ =	swait.ge [sflag:s24], $0x1000  }
0xe3: {  	[sflag:s24] =	ssyncset.done $0x0  }
0xe4: {  	[sflag:s24] =	ssyncadd.s32 $0xFFFFF000  }
0xe5: {  	_ =	swait.ge [sflag:s24], $0x1000  }
0xe6: {  	[sflag:s24] =	ssyncset.done $0x0  }
0xe7: {  	[sflag:s24] =	ssyncadd.s32 $0xFFFFF000  }
0xe8: {  	_ =	swait.ge [sflag:s24], $0x1000  }
0xe9: {  	[sflag:s24] =	ssyncset.done $0x0  }
0xea: {  	[sflag:s24] =	ssyncadd.s32 $0xFFFFF000  }
0xeb: {  	_ =	swait.ge [sflag:s24], $0x1000  }
0xec: {  	[sflag:s24] =	ssyncset.done $0x0  }
0xed: {  	[sflag:s24] =	ssyncadd.s32 $0xFFFFF000  }
0xee: {  	_ =	swait.ge [sflag:s24], $0x1000  }
0xef: {  	[sflag:s24] =	ssyncset.done $0x0  }
0xf0: {  	[sflag:s24] =	ssyncadd.s32 $0xFFFFF000  }
0xf1: {  	_ =	swait.ge [sflag:s24], $0x1000  }
0xf2: {  	s25 =	sadd.s32 $0x1, s25;
	[sflag:s24] =	ssyncset.done $0x0  }
0xf3: {  	p0 =	sne.s32 s25, s9;
	[sflag:s24] =	ssyncadd.s32 $0xFFFFF000  }
.Ltmp1:
0xf4: {  	[bflag:$0x0] =	sbarrier.arrive $0xFFFF;
	(pc) =	sbr.rel @p0 .LBB2_1-.Ltmp1, $4  }
0xf5: {  	[hbm:s8], [sflag:s12] =	dma.local [spmem:s13], $0xA00  }
0xf6: {  	_ =	swait.ge [sflag:s10], $0xA00  }
0xf7: {  	[sflag:s10] =	ssyncset.done $0x0  }
0xf8: {  	[sflag:s10] =	ssyncadd.s32 $0xFFFFF600  }
0xf9: {  	_ =	sfence.sel $0x180000  }
0xfa: {  	[bflag:$0x0] =	sbarrier.arrive $0xFFFF  }
0xfb: {  	p0 =	sne.s32 s0, $0x0;
	_ =	strace $0x9000004A  }
0xfc: {  	s0 =	sadd.s32 @!p0 $0x100000, s1;
	[bflag:$0x2] =	sbarrier.arrive $0xFFFF  }
0xfd: {  	[sflag:s0] =	ssyncadd.tile.s32 @!p0 $0x1;
	_ =	shalt  }
.Lfunc_end2:
_tile_overlayer_lowered:
.L_overlay_start_2:
0xfe: {  	(tag) =	ssettag $0x2  }
0xff: {  	s0 =	rddreg [dreg:$0x0];
	s2 =	stileid.u32  }
0x100: {  	s1 =	rddreg [dreg:$0x1];
	p0 =	sne.s32 s2, $0x0  }
0x101: {  	s3 =	rddreg [dreg:$0x2];
	[bflag:$0x3] =	sbarrier.arrive $0xFFFF;
	s2 =	simm.s32 @!p0 $0x1C03  }
0x102: {  	[timem:s3], [sflag:s2] =	dma.local @!p0 [hbm:s0], s1  }
0x103: {  	s0 =	simm.s32 @!p0 $0x3  }
0x104: {  	_ =	swait.ge @!p0 [sflag:s0], s1  }
0x105: {  	s1 =	ssub.s32 @!p0 $0x0, s1;
	[sflag:s0] =	ssyncset.done @!p0 $0x0  }
0x106: {  	[sflag:s0] =	ssyncadd.s32 @!p0 s1  }
0x107: {  	[bflag:$0x3] =	sbarrier.arrive $0xFFFF  }
0x108: {  	_ =	shalt  }

// kernel: kernel.7.cloned.1.call-start
scs
__scs_entry_jumppad:
0x0: {  	(pc) =	sbr.rel $0x88, $3  }
0x1: {  	(tag) =	ssettag $0x0;
	lr =	simm.s32 $0x1  }
0x2: {  	[smem:$0x3F95] =	sst lr;
	_ =	strace $0xD0000000  }
0x3: {  	_ = 	snop  }
0x4: {  	_ = 	snop  }
0x5: {  	_ = 	snop  }
0x6: {  	_ = 	snop  }
0x7: {  	_ = 	snop  }
__scs_overlays_trampoline_lowered:
0x8: {  	[smem:$0x3FA4] =	sst s0  }
0x9: {  	[smem:$0x3FA5] =	sst s1  }
0xa: {  	[smem:$0x3FA6] =	sst s2  }
0xb: {  	[smem:$0x3FA7] =	sst s3  }
0xc: {  	[smem:$0x3FA8] =	sst s4  }
0xd: {  	[smem:$0x3FA9] =	sst s5  }
0xe: {  	[smem:$0x3FAA] =	sst s6  }
0xf: {  	[smem:$0x3FAB] =	sst s7  }
0x10: {  	[smem:$0x3FAC] =	sst s8  }
0x11: {  	[smem:$0x3FAD] =	sst s9;
	s0 =	simm.s32 @!p0 $0x0  }
0x12: {  	s1 =	sld [smem:$0x3F93];
	s0 =	simm.s32 @p0 $0x1  }
0x13: {  	[smem:$0x3FAE] =	sst s0;
	s0 =	simm.s32 @!p1 $0x0  }
0x14: {  	s2 =	sld [smem:$0x3F92];
	s0 =	simm.s32 @p1 $0x1  }
0x15: {  	[smem:$0x3FAF] =	sst s0;
	s0 =	simm.s32 @!p2 $0x0  }
0x16: {  	s3 =	sld [smem:$0x3FDB];
	s0 =	simm.s32 @p2 $0x1  }
0x17: {  	s4 =	simm.s32 $0x1BF5;
	[smem:$0x3FB1] =	sst s0  }
0x18: {  	s0 =	sld [smem:$0x3F94];
	_ =	swait.ge [sflag:s4], $0x0  }
0x19: {  	s7 =	sld [smem:$0x3F95]  }
0x1a: {  	s8 =	sadd.s32 $0xFFFFE003, lr  }
0x1b: {  	s9 =	sadd.s32 $0xFFFFFEF7, lr;
	s5 =	simm.s32 $0xFFFFFFFF;
	p2 =	slt.u32 s8, $0xFFFFF086  }
0x1c: {  	p1 =	slt.u32 s9, $0xF7A;
	s5 =	simm.s32 @!p2 $0x0  }
0x1d: {  	s5 =	simm.s32 @p1 $0x1;
	p0 =	seq.s32 s7, s2  }
0x1e: {  	s7 =	smul.u32 @!p0 $0xF7A, s2;
	p2 =	seq.s32 @!p0 s5, $0x0  }
0x1f: {  	s9 =	smul.u32 $0xF7A, s1;
	s8 =	simm.s32 @!p0 $0x1BF5;
	p2 =	por !p2, p0  }
0x20: {  	[sflag:s8] =	ssyncset.s32 @!p0 $0xFFFFF086;
	s6 =	sadd.s32 @!p0 s3, s7;
	s7 =	simm.s32 @!p0 $0x108  }
0x21: {  	s3 =	sadd.s32 s3, s9;
	s6 =	sadd.s32 @!p0 $0x88, s6;
	s7 =	simm.s32 @p2 $0x1082  }
0x22: {  	[simem:s7], [sflag:s8] =	dma.local @!p0 [hbm:s6], $0xF7A  }
0x23: {  	s9 =	sor.u32 $0xD0000000, s2;
	s6 =	simm.s32 $0x108;
	_ =	swait.ge @!p0 [sflag:s8], $0x0  }
0x24: {  	s3 =	sadd.s32 $0x88, s3;
	s6 =	simm.s32 @!p1 $0x1082;
	[sflag:s4] =	ssyncset.s32 $0xFFFFF086  }
0x25: {  	[simem:s6], [sflag:s4] =	dma.local [hbm:s3], $0xF7A  }
0x26: {  	[smem:$0x3F95] =	sst s1;
	(tag) =	ssettag s2;
	_ =	strace s9  }
0x27: {  	s1 =	sld [smem:$0x3FA5]  }
0x28: {  	s2 =	sld [smem:$0x3FA6]  }
0x29: {  	s4 =	sld [smem:$0x3FA8]  }
0x2a: {  	p0 =	seq.s32 s5, $0x0;
	s5 =	sld [smem:$0x3FA9]  }
0x2b: {  	s6 =	sld [smem:$0x3FAA]  }
0x2c: {  	s7 =	sld [smem:$0x3FAB]  }
0x2d: {  	s3 =	simm.s32 $0x108;
	s8 =	sld [smem:$0x3FAC]  }
0x2e: {  	s3 =	simm.s32 @!p0 $0x1082;
	s9 =	sld [smem:$0x3FAD]  }
0x2f: {  	lr =	sadd.s32 s0, s3;
	s0 =	sld [smem:$0x3FA4]  }
0x30: {  	s3 =	sld [smem:$0x3FA7]  }
0x31: {  	[smem:$0x3FB0] =	sst s10  }
0x32: {  	s10 =	sld [smem:$0x3FAE];
	_ =	sdelay $0x3  }
0x33: {  	p0 =	seq.s32 s10, $0x1;
	s10 =	sld [smem:$0x3FB0];
	_ =	sdelay $0x3  }
0x34: {  	[smem:$0x3FB0] =	sst s10  }
0x35: {  	s10 =	sld [smem:$0x3FAF];
	_ =	sdelay $0x3  }
0x36: {  	p1 =	seq.s32 s10, $0x1;
	s10 =	sld [smem:$0x3FB0];
	_ =	sdelay $0x3  }
0x37: {  	[smem:$0x3FB0] =	sst s10  }
0x38: {  	s10 =	sld [smem:$0x3FB1]  }
0x39: {  	_ = 	snop;
	(pc) =	sbr.ind lr, $3  }
0x3a: {  	_ = 	snop  }
0x3b: {  	_ = 	snop  }
0x3c: {  	p2 =	seq.s32 s10, $0x1;
	s10 =	sld [smem:$0x3FB0]  }
0x3d: {  	_ =	shalt  }
0x3e: {  	_ =	shalt  }
0x3f: {  	_ =	shalt  }
0x40: {  	_ =	shalt  }
0x41: {  	_ =	shalt  }
0x42: {  	_ =	shalt  }
0x43: {  	_ =	shalt  }
0x44: {  	_ =	shalt  }
0x45: {  	_ =	shalt  }
0x46: {  	_ =	shalt  }
0x47: {  	_ =	shalt  }
0x48: {  	_ =	shalt  }
0x49: {  	_ =	shalt  }
0x4a: {  	_ =	shalt  }
0x4b: {  	_ =	shalt  }
0x4c: {  	_ =	shalt  }
0x4d: {  	_ =	shalt  }
0x4e: {  	_ =	shalt  }
0x4f: {  	_ =	shalt  }
0x50: {  	_ =	shalt  }
0x51: {  	_ =	shalt  }
0x52: {  	_ =	shalt  }
0x53: {  	_ =	shalt  }
0x54: {  	_ =	shalt  }
0x55: {  	_ =	shalt  }
0x56: {  	_ =	shalt  }
0x57: {  	_ =	shalt  }
0x58: {  	_ =	shalt  }
0x59: {  	_ =	shalt  }
0x5a: {  	_ =	shalt  }
0x5b: {  	_ =	shalt  }
0x5c: {  	_ =	shalt  }
0x5d: {  	_ =	shalt  }
0x5e: {  	_ =	shalt  }
0x5f: {  	_ =	shalt  }
0x60: {  	_ =	shalt  }
0x61: {  	_ =	shalt  }
0x62: {  	_ =	shalt  }
0x63: {  	_ =	shalt  }
0x64: {  	_ =	shalt  }
0x65: {  	_ =	shalt  }
0x66: {  	_ =	shalt  }
0x67: {  	_ =	shalt  }
0x68: {  	_ =	shalt  }
0x69: {  	_ =	shalt  }
0x6a: {  	_ =	shalt  }
0x6b: {  	_ =	shalt  }
0x6c: {  	_ =	shalt  }
0x6d: {  	_ =	shalt  }
0x6e: {  	_ =	shalt  }
0x6f: {  	_ =	shalt  }
0x70: {  	_ =	shalt  }
0x71: {  	_ =	shalt  }
0x72: {  	_ =	shalt  }
0x73: {  	_ =	shalt  }
0x74: {  	_ =	shalt  }
0x75: {  	_ =	shalt  }
0x76: {  	_ =	shalt  }
0x77: {  	_ =	shalt  }
0x78: {  	_ =	shalt  }
0x79: {  	_ =	shalt  }
0x7a: {  	_ =	shalt  }
0x7b: {  	_ =	shalt  }
0x7c: {  	_ =	shalt  }
0x7d: {  	_ =	shalt  }
0x7e: {  	_ =	shalt  }
0x7f: {  	_ =	shalt  }
0x80: {  	_ =	shalt  }
0x81: {  	_ =	shalt  }
0x82: {  	_ =	shalt  }
0x83: {  	_ =	shalt  }
0x84: {  	_ =	shalt  }
0x85: {  	_ =	shalt  }
0x86: {  	_ =	shalt  }
0x87: {  	_ =	shalt  }
.Lfunc_end0:
.L_simem_size_0:
called_computation_lowered:
.L_overlay_start_0:
0x88: {  	s2 =	sld [smem:$0x3FD9]  }
0x89: {  	s3 =	sld [smem:$0x3FFE];
	_ =	sdelay $0x1  }
0x8a: {  	s1 =	srdreg.scid  }
0x8b: {  	s0 =	sand.u32 $0x1, s1  }
0x8c: {  	s16 =	sshll.u32 s0, $0xA;
	s2 =	sadd.s32 s3, s2  }
0x8d: {  	s2 =	sadd.s32 s2, s16  }
0x8e: {  	[smem:$0x3FBC] =	sst s2  }
0x8f: {  	_ = 	snop  }
0x90: {  	(tm) =	ssettm $0x1  }
0x91: {  	s17 =	sld [smem:$0x3FFB];
	_ =	sdelay $0x3  }
0x92: {  	_ =	strace s17  }
0x93: {  	s2 =	sld [smem:$0x3FFC];
	_ =	sdelay $0x3  }
0x94: {  	_ =	strace s2  }
0x95: {  	s2 =	sld [smem:$0x3FFD];
	_ =	sdelay $0x3  }
0x96: {  	_ =	strace s2  }
0x97: {  	_ =	strace $0x8FFFFFFF  }
0x98: {  	s18 =	sld [smem:$0x3FDB];
	_ =	sdelay $0x1  }
0x99: {  	s19 =	simm.s32 $_scs_section_size  }
0x9a: {  	s4 =	simm.s32 $_size__tile_overlayer_lowered;
	s5 =	simm.s32 $_tile_overlayer_lowered  }
0x9b: {  	s22 =	simm.s32 $0x1BFF;
	s21 =	sshll.u32 s5, $0x1;
	s2 =	sadd.s32 s19, s18  }
0x9c: {  	s6 =	simm.s32 $0x0;
	s20 =	sshll.u32 s4, $0x1;
	s4 =	sadd.s32 s21, s2  }
0x9d: {  	[timem:s6], [sflag:s22] =	dma.local [hbm:s4], s20  }
0x9e: {  	_ =	swait.ge [sflag:s22], s20  }
0x9f: {  	s3 =	ssub.s32 $0x0, s20;
	[sflag:s22] =	ssyncset.done $0x0  }
0xa0: {  	[sflag:s22] =	ssyncadd.s32 s3;
	_ =	sdelay $0x1  }
0xa1: {  	s23 =	simm.s32 $0x1B8B  }
0xa2: {  	_ =	swait.ge [sflag:s23], $0x1  }
0xa3: {  	[sflag:s23] =	ssyncset.done $0x0  }
0xa4: {  	s25 =	simm.s32 $0x1B8E;
	s24 =	sld [smem:$0x3FFE];
	[sflag:s23] =	ssyncadd.s32 $0xFFFFFFFF  }
0xa5: {  	s26 =	simm.s32 $execute0_lowered;
	[smem:$0x3FD2] =	sst s25  }
0xa6: {  	s4 =	sshll.u32 s26, $0x1;
	_ =	strace $0x80000046;
	[dreg:$0x1] =	wrdreg $0xFFFFFFFF  }
0xa7: {  	s28 =	simm.s32 $_size_execute0_lowered;
	s2 =	sadd.s32 s2, s4;
	[dreg:$0x0] =	wrdreg $0x0  }
0xa8: {  	s4 =	sshll.u32 s28, $0x1;
	[dreg:$0x2] =	wrdreg s2  }
0xa9: {  	[dreg:$0x3] =	wrdreg s4  }
0xaa: {  	[dreg:$0x4] =	wrdreg $0xC0  }
0xab: {  	_ =	task [dreg:s6], $0x5FFFF  }
0xac: {  	[dreg:$0x1] =	wrdreg $0xFFFFFFFF  }
0xad: {  	[dreg:$0x0] =	wrdreg $0x60  }
0xae: {  	[dreg:$0x2] =	wrdreg s24  }
0xaf: {  	[dreg:$0x3] =	wrdreg $0xD0000  }
0xb0: {  	[dreg:$0x4] =	wrdreg $0x9  }
0xb1: {  	_ =	task.clear_ibuf [dreg:s6], $0x5FFFF;
	_ =	strace $0x90000046  }
0xb2: {  	s29 =	simm.s32 $0x9;
	_ =	strace $0x80000048  }
0xb3: {  	_ =	swait.ge [sflag:s29], $0x1  }
0xb4: {  	[sflag:s29] =	ssyncadd.s32 $0xFFFFFFFF  }
0xb5: {  	_ =	strace $0x90000048  }
0xb6: {  	_ =	sfence  }
0xb7: {  	s30 =	sld [smem:$0x0];
	_ =	sdelay $0x2  }
0xb8: {  	s31 =	sshll.u32 s1, $0xD;
	s1 =	sshrl.u32 s1, $0x2  }
0xb9: {  	s3 =	sand.u32 $0x4000, s31;
	s1 =	sadd.s32 s1, s30  }
0xba: {  	s0 =	sor.u32 s3, s0;
	s1 =	sshll.u32 s1, $0x11  }
0xbb: {  	s0 =	sor.u32 s1, s0  }
0xbc: {  	s0 =	sadd.s32 $0x8F2B, s0  }
0xbd: {  	[sflag:s0] =	ssyncadd.remote.s32 $0x1  }
0xbe: {  	_ =	sfence.sel $0xFFFF  }
0xbf: {  	[dreg:$0x0] =	wrdreg $0xFFFFFFFF;
	(pc) =	sbr.abs _section_cstart, $3  }
0xc0: {  	[dreg:$0x1] =	wrdreg $0xFFFFFFFF  }
0xc1: {  	_ =	task.clear_ibuf [dreg:s6], $0x2FFFF;
	_ =	strace $0x9FFFFFFF  }
0xc2: {  	(tm) =	ssettm $0x7FFFFFFF  }
0xc3: {  	_ =	shalt  }
tec
execute0_lowered:
.L_overlay_start_1:
0x0: {  	(tag) =	ssettag $0x1  }
0x1: {  	s1 =	srdreg.scid  }
0x2: {  	s0 =	stileid.u32;
	s6 =	rddreg [dreg:$0x0]  }
0x3: {  	s2 =	rddreg [dreg:$0x1];
	s3 =	simm.s32 $0x0;
	s14 =	simm.s32 $0x80  }
0x4: {  	s15 =	simm.s32 $0x5000;
	s16 =	simm.s32 $0x6000;
	s17 =	simm.s32 $0x7000  }
0x5: {  	s18 =	simm.s32 $0x8000;
	s19 =	simm.s32 $0x9000;
	s20 =	simm.s32 $0xA000  }
0x6: {  	s21 =	simm.s32 $0xB000;
	s22 =	simm.s32 $0xC000;
	s23 =	simm.s32 $0x1  }
0x7: {  	s24 =	simm.s32 $0x2;
	s25 =	simm.s32 $0x0;
	s5 =	sand.u32 $0x1, s1  }
0x8: {  	s31 =	sshll.u32 s0, $0x1;
	s8 =	smul.u32 $0x5000, s0;
	[smem:$0x7FF] =	sst s3  }
0x9: {  	s4 =	sadd.s32 $0x1600, s6;
	s12 =	sshll.u32 s0, $0x6;
	s1 =	sor.u32 s5, s31  }
0xa: {  	s9 =	smul.u32 $0x50000, s5;
	s10 =	ssub.s32 $0x2, s5;
	s5 =	sadd.s32 $0x1F400, s6  }
0xb: {  	s12 =	sor.u32 $0x1C03, s12;
	s7 =	smul.u32 $0x500, s1;
	s1 =	rddreg [dreg:$0x2]  }
0xc: {  	_ =	strace $0x80000047;
	s11 =	sshrl.u32 s10, $0x1;
	s13 =	sadd.s32 s8, s2  }
0xd: {  	s9 =	sadd.s32 s8, s9;
	s10 =	ssub.s32 s10, s11;
	s11 =	simm.s32 $0x2800  }
0xe: {  	s13 =	sshrl.u32 s13, $0x3;
	s7 =	sadd.s32 s7, s6;
	s9 =	sshrl.u32 s9, $0x3  }
0xf: {  	s9 =	sadd.s32 s9, s6;
	s6 =	sadd.s32 $0xB400, s7;
	s7 =	sadd.s32 $0x15400, s7  }
0x10: {  	s8 =	sadd.s32 $0x1FE00, s9;
	s9 =	smax.u32 s10, $0x1;
	s10 =	simm.s32 $0x3  }
.LBB2_1:
0x11: {  	[tilespmem:s3], [sflag:$0x3] =	stream.linear.gather [hbm4b:s6+s3], $0x2800, $0x38;
	[tilespmem:$0x12000] =	vst v63  }
0x12: {  	_ =	swait.ge [sflag:s10], $0x2800  }
0x13: {  	[sflag:s10] =	ssyncset.done $0x0  }
0x14: {  	[sflag:s10] =	ssyncadd.s32 $0xFFFFD800  }
0x15: {  	[tilespmem:s11], [sflag:$0x3] =	stream.linear.gather [hbm4b:s7+s3], $0x2800, $0x38;
	[tilespmem:$0x12000] =	vst v63  }
0x16: {  	_ =	swait.ge [sflag:s10], $0x2800  }
0x17: {  	[sflag:s10] =	ssyncset.done $0x0  }
0x18: {  	[sflag:s10] =	ssyncadd.s32 $0xFFFFD800  }
0x19: {  	[spmem:s13], [sflag:s12] =	dma.local [hbm:s5], $0xA00  }
0x1a: {  	_ =	swait.ge [sflag:s10], $0xA00  }
0x1b: {  	[sflag:s10] =	ssyncset.done $0x0  }
0x1c: {  	[sflag:s10] =	ssyncadd.s32 $0xFFFFF600  }
0x1d: {  	s26 =	simm.s32 $0x0;
	[bflag:$0x0] =	sbarrier.arrive $0xFFFF  }
0x1e: {  	[tilespmem:s15], [sflag:$0x1] =	stream.indirect.gather [hbm4b:s4+s14], $0x20, s26, s14, $0xb8;
	[tilespmem:$0x12000] =	vst v63  }
0x1f: {  	s28 =	simm.s32 $0x80  }
0x20: {  	[tilespmem:s16], [sflag:$0x1] =	stream.indirect.gather [hbm4b:s4+s14], $0x20, s28, s14, $0xb8;
	[tilespmem:$0x12000] =	vst v63  }
0x21: {  	s29 =	simm.s32 $0x100  }
0x22: {  	[tilespmem:s17], [sflag:$0x1] =	stream.indirect.gather [hbm4b:s4+s14], $0x20, s29, s14, $0xb8;
	[tilespmem:$0x12000] =	vst v63  }
0x23: {  	s31 =	simm.s32 $0x180  }
0x24: {  	[tilespmem:s18], [sflag:$0x1] =	stream.indirect.gather [hbm4b:s4+s14], $0x20, s31, s14, $0xb8;
	[tilespmem:$0x12000] =	vst v63  }
0x25: {  	s28 =	simm.s32 $0x200  }
0x26: {  	[tilespmem:s19], [sflag:$0x1] =	stream.indirect.gather [hbm4b:s4+s14], $0x20, s28, s14, $0xb8;
	[tilespmem:$0x12000] =	vst v63  }
0x27: {  	s29 =	simm.s32 $0x280  }
0x28: {  	[tilespmem:s20], [sflag:$0x1] =	stream.indirect.gather [hbm4b:s4+s14], $0x20, s29, s14, $0xb8;
	[tilespmem:$0x12000] =	vst v63  }
0x29: {  	s31 =	simm.s32 $0x300  }
0x2a: {  	[tilespmem:s21], [sflag:$0x1] =	stream.indirect.gather [hbm4b:s4+s14], $0x20, s31, s14, $0xb8;
	[tilespmem:$0x12000] =	vst v63  }
0x2b: {  	s28 =	simm.s32 $0x380  }
0x2c: {  	[tilespmem:s22], [sflag:$0x1] =	stream.indirect.gather [hbm4b:s4+s14], $0x20, s28, s14, $0xb8;
	[tilespmem:$0x12000] =	vst v63  }
0x2d: {  	_ =	swait.ge [sflag:s23], $0x1000  }
0x2e: {  	[sflag:s23] =	ssyncset.done $0x0  }
0x2f: {  	s29 =	simm.s32 $0x2800;
	[sflag:s23] =	ssyncadd.s32 $0xFFFFF000  }
0x30: {  	[spmem:s2] =	stream.indirect.scatter.add.f32 [tilespmem:s15], [sflag:$0x2], $0x20, s29, s14, $0xb8;
	[tilespmem:$0x12000] =	vst v63  }
0x31: {  	_ =	swait.ge [sflag:s23], $0x1000  }
0x32: {  	[sflag:s23] =	ssyncset.done $0x0  }
0x33: {  	s31 =	simm.s32 $0x2880;
	[sflag:s23] =	ssyncadd.s32 $0xFFFFF000  }
0x34: {  	[spmem:s2] =	stream.indirect.scatter.add.f32 [tilespmem:s16], [sflag:$0x2], $0x20, s31, s14, $0xb8;
	[tilespmem:$0x12000] =	vst v63  }
0x35: {  	_ =	swait.ge [sflag:s23], $0x1000  }
0x36: {  	[sflag:s23] =	ssyncset.done $0x0  }
0x37: {  	s28 =	simm.s32 $0x2900;
	[sflag:s23] =	ssyncadd.s32 $0xFFFFF000  }
0x38: {  	[spmem:s2] =	stream.indirect.scatter.add.f32 [tilespmem:s17], [sflag:$0x2], $0x20, s28, s14, $0xb8;
	[tilespmem:$0x12000] =	vst v63  }
0x39: {  	_ =	swait.ge [sflag:s23], $0x1000  }
0x3a: {  	[sflag:s23] =	ssyncset.done $0x0  }
0x3b: {  	s29 =	simm.s32 $0x2980;
	[sflag:s23] =	ssyncadd.s32 $0xFFFFF000  }
0x3c: {  	[spmem:s2] =	stream.indirect.scatter.add.f32 [tilespmem:s18], [sflag:$0x2], $0x20, s29, s14, $0xb8;
	[tilespmem:$0x12000] =	vst v63  }
0x3d: {  	_ =	swait.ge [sflag:s23], $0x1000  }
0x3e: {  	[sflag:s23] =	ssyncset.done $0x0  }
0x3f: {  	s31 =	simm.s32 $0x2A00;
	[sflag:s23] =	ssyncadd.s32 $0xFFFFF000  }
0x40: {  	[spmem:s2] =	stream.indirect.scatter.add.f32 [tilespmem:s19], [sflag:$0x2], $0x20, s31, s14, $0xb8;
	[tilespmem:$0x12000] =	vst v63  }
0x41: {  	_ =	swait.ge [sflag:s23], $0x1000  }
0x42: {  	[sflag:s23] =	ssyncset.done $0x0  }
0x43: {  	s28 =	simm.s32 $0x2A80;
	[sflag:s23] =	ssyncadd.s32 $0xFFFFF000  }
0x44: {  	[spmem:s2] =	stream.indirect.scatter.add.f32 [tilespmem:s20], [sflag:$0x2], $0x20, s28, s14, $0xb8;
	[tilespmem:$0x12000] =	vst v63  }
0x45: {  	_ =	swait.ge [sflag:s23], $0x1000  }
0x46: {  	[sflag:s23] =	ssyncset.done $0x0  }
0x47: {  	s29 =	simm.s32 $0x2B00;
	[sflag:s23] =	ssyncadd.s32 $0xFFFFF000  }
0x48: {  	[spmem:s2] =	stream.indirect.scatter.add.f32 [tilespmem:s21], [sflag:$0x2], $0x20, s29, s14, $0xb8;
	[tilespmem:$0x12000] =	vst v63  }
0x49: {  	_ =	swait.ge [sflag:s23], $0x1000  }
0x4a: {  	[sflag:s23] =	ssyncset.done $0x0  }
0x4b: {  	s31 =	simm.s32 $0x2B80;
	[sflag:s23] =	ssyncadd.s32 $0xFFFFF000  }
0x4c: {  	[spmem:s2] =	stream.indirect.scatter.add.f32 [tilespmem:s22], [sflag:$0x2], $0x20, s31, s14, $0xb8;
	[tilespmem:$0x12000] =	vst v63  }
0x4d: {  	_ =	swait.ge [sflag:s24], $0x1000  }
0x4e: {  	[sflag:s24] =	ssyncset.done $0x0  }
0x4f: {  	[sflag:s24] =	ssyncadd.s32 $0xFFFFF000  }
0x50: {  	_ =	swait.ge [sflag:s24], $0x1000  }
0x51: {  	[sflag:s24] =	ssyncset.done $0x0  }
0x52: {  	[sflag:s24] =	ssyncadd.s32 $0xFFFFF000  }
0x53: {  	_ =	swait.ge [sflag:s24], $0x1000  }
0x54: {  	[sflag:s24] =	ssyncset.done $0x0  }
0x55: {  	[sflag:s24] =	ssyncadd.s32 $0xFFFFF000  }
0x56: {  	_ =	swait.ge [sflag:s24], $0x1000  }
0x57: {  	[sflag:s24] =	ssyncset.done $0x0  }
0x58: {  	[sflag:s24] =	ssyncadd.s32 $0xFFFFF000  }
0x59: {  	_ =	swait.ge [sflag:s24], $0x1000  }
0x5a: {  	[sflag:s24] =	ssyncset.done $0x0  }
0x5b: {  	[sflag:s24] =	ssyncadd.s32 $0xFFFFF000  }
0x5c: {  	_ =	swait.ge [sflag:s24], $0x1000  }
0x5d: {  	[sflag:s24] =	ssyncset.done $0x0  }
0x5e: {  	[sflag:s24] =	ssyncadd.s32 $0xFFFFF000  }
0x5f: {  	_ =	swait.ge [sflag:s24], $0x1000  }
0x60: {  	[sflag:s24] =	ssyncset.done $0x0  }
0x61: {  	[sflag:s24] =	ssyncadd.s32 $0xFFFFF000  }
0x62: {  	_ =	swait.ge [sflag:s24], $0x1000  }
0x63: {  	s30 =	simm.s32 $0x2000;
	s26 =	simm.s32 $0x1000;
	[sflag:s24] =	ssyncset.done $0x0  }
.LBB2_2:
0x64: {  	s29 =	sshra.s32 s26, $0x2  }
0x65: {  	[sflag:s24] =	ssyncadd.s32 $0xFFFFF000;
	s26 =	smov.u32 s30;
	s28 =	sadd.s32 $0x1000, s30  }
0x66: {  	[tilespmem:s15], [sflag:$0x1] =	stream.indirect.gather [hbm4b:s4+s14], $0x20, s29, s14, $0xb8;
	[tilespmem:$0x12000] =	vst v63  }
0x67: {  	p0 =	sne.s32 s30, $0x9000;
	s30 =	sadd.s32 $0x80, s29  }
0x68: {  	[tilespmem:s16], [sflag:$0x1] =	stream.indirect.gather [hbm4b:s4+s14], $0x20, s30, s14, $0xb8;
	[tilespmem:$0x12000] =	vst v63  }
0x69: {  	s30 =	sadd.s32 $0x100, s29  }
0x6a: {  	[tilespmem:s17], [sflag:$0x1] =	stream.indirect.gather [hbm4b:s4+s14], $0x20, s30, s14, $0xb8;
	[tilespmem:$0x12000] =	vst v63  }
0x6b: {  	s30 =	sadd.s32 $0x180, s29  }
0x6c: {  	[tilespmem:s18], [sflag:$0x1] =	stream.indirect.gather [hbm4b:s4+s14], $0x20, s30, s14, $0xb8;
	[tilespmem:$0x12000] =	vst v63  }
0x6d: {  	s30 =	sadd.s32 $0x200, s29  }
0x6e: {  	[tilespmem:s19], [sflag:$0x1] =	stream.indirect.gather [hbm4b:s4+s14], $0x20, s30, s14, $0xb8;
	[tilespmem:$0x12000] =	vst v63  }
0x6f: {  	s30 =	sadd.s32 $0x280, s29  }
0x70: {  	[tilespmem:s20], [sflag:$0x1] =	stream.indirect.gather [hbm4b:s4+s14], $0x20, s30, s14, $0xb8;
	[tilespmem:$0x12000] =	vst v63  }
0x71: {  	s30 =	sadd.s32 $0x300, s29  }
0x72: {  	[tilespmem:s21], [sflag:$0x1] =	stream.indirect.gather [hbm4b:s4+s14], $0x20, s30, s14, $0xb8;
	[tilespmem:$0x12000] =	vst v63  }
0x73: {  	s30 =	sadd.s32 $0x380, s29  }
0x74: {  	[tilespmem:s22], [sflag:$0x1] =	stream.indirect.gather [hbm4b:s4+s14], $0x20, s30, s14, $0xb8;
	[tilespmem:$0x12000] =	vst v63  }
0x75: {  	_ =	swait.ge [sflag:s23], $0x1000  }
0x76: {  	[sflag:s23] =	ssyncset.done $0x0  }
0x77: {  	s30 =	sadd.s32 $0x2800, s29;
	[sflag:s23] =	ssyncadd.s32 $0xFFFFF000  }
0x78: {  	[spmem:s2] =	stream.indirect.scatter.add.f32 [tilespmem:s15], [sflag:$0x2], $0x20, s30, s14, $0xb8;
	[tilespmem:$0x12000] =	vst v63  }
0x79: {  	_ =	swait.ge [sflag:s23], $0x1000  }
0x7a: {  	[sflag:s23] =	ssyncset.done $0x0  }
0x7b: {  	s30 =	sadd.s32 $0x2880, s29;
	[sflag:s23] =	ssyncadd.s32 $0xFFFFF000  }
0x7c: {  	[spmem:s2] =	stream.indirect.scatter.add.f32 [tilespmem:s16], [sflag:$0x2], $0x20, s30, s14, $0xb8;
	[tilespmem:$0x12000] =	vst v63  }
0x7d: {  	_ =	swait.ge [sflag:s23], $0x1000  }
0x7e: {  	[sflag:s23] =	ssyncset.done $0x0  }
0x7f: {  	s30 =	sadd.s32 $0x2900, s29;
	[sflag:s23] =	ssyncadd.s32 $0xFFFFF000  }
0x80: {  	[spmem:s2] =	stream.indirect.scatter.add.f32 [tilespmem:s17], [sflag:$0x2], $0x20, s30, s14, $0xb8;
	[tilespmem:$0x12000] =	vst v63  }
0x81: {  	_ =	swait.ge [sflag:s23], $0x1000  }
0x82: {  	[sflag:s23] =	ssyncset.done $0x0  }
0x83: {  	s30 =	sadd.s32 $0x2980, s29;
	[sflag:s23] =	ssyncadd.s32 $0xFFFFF000  }
0x84: {  	[spmem:s2] =	stream.indirect.scatter.add.f32 [tilespmem:s18], [sflag:$0x2], $0x20, s30, s14, $0xb8;
	[tilespmem:$0x12000] =	vst v63  }
0x85: {  	_ =	swait.ge [sflag:s23], $0x1000  }
0x86: {  	[sflag:s23] =	ssyncset.done $0x0  }
0x87: {  	s30 =	sadd.s32 $0x2A00, s29;
	[sflag:s23] =	ssyncadd.s32 $0xFFFFF000  }
0x88: {  	[spmem:s2] =	stream.indirect.scatter.add.f32 [tilespmem:s19], [sflag:$0x2], $0x20, s30, s14, $0xb8;
	[tilespmem:$0x12000] =	vst v63  }
0x89: {  	_ =	swait.ge [sflag:s23], $0x1000  }
0x8a: {  	[sflag:s23] =	ssyncset.done $0x0  }
0x8b: {  	s30 =	sadd.s32 $0x2A80, s29;
	[sflag:s23] =	ssyncadd.s32 $0xFFFFF000  }
0x8c: {  	[spmem:s2] =	stream.indirect.scatter.add.f32 [tilespmem:s20], [sflag:$0x2], $0x20, s30, s14, $0xb8;
	[tilespmem:$0x12000] =	vst v63  }
0x8d: {  	_ =	swait.ge [sflag:s23], $0x1000  }
0x8e: {  	[sflag:s23] =	ssyncset.done $0x0  }
0x8f: {  	s30 =	sadd.s32 $0x2B00, s29;
	[sflag:s23] =	ssyncadd.s32 $0xFFFFF000  }
0x90: {  	[spmem:s2] =	stream.indirect.scatter.add.f32 [tilespmem:s21], [sflag:$0x2], $0x20, s30, s14, $0xb8;
	[tilespmem:$0x12000] =	vst v63  }
0x91: {  	_ =	swait.ge [sflag:s23], $0x1000  }
0x92: {  	[sflag:s23] =	ssyncset.done $0x0  }
0x93: {  	s29 =	sadd.s32 $0x2B80, s29;
	[sflag:s23] =	ssyncadd.s32 $0xFFFFF000  }
0x94: {  	[spmem:s2] =	stream.indirect.scatter.add.f32 [tilespmem:s22], [sflag:$0x2], $0x20, s29, s14, $0xb8;
	[tilespmem:$0x12000] =	vst v63  }
0x95: {  	_ =	swait.ge [sflag:s24], $0x1000  }
0x96: {  	[sflag:s24] =	ssyncset.done $0x0  }
0x97: {  	[sflag:s24] =	ssyncadd.s32 $0xFFFFF000  }
0x98: {  	_ =	swait.ge [sflag:s24], $0x1000  }
0x99: {  	[sflag:s24] =	ssyncset.done $0x0  }
0x9a: {  	[sflag:s24] =	ssyncadd.s32 $0xFFFFF000  }
0x9b: {  	_ =	swait.ge [sflag:s24], $0x1000  }
0x9c: {  	[sflag:s24] =	ssyncset.done $0x0  }
0x9d: {  	[sflag:s24] =	ssyncadd.s32 $0xFFFFF000  }
0x9e: {  	_ =	swait.ge [sflag:s24], $0x1000  }
0x9f: {  	[sflag:s24] =	ssyncset.done $0x0  }
0xa0: {  	[sflag:s24] =	ssyncadd.s32 $0xFFFFF000  }
0xa1: {  	_ =	swait.ge [sflag:s24], $0x1000  }
0xa2: {  	[sflag:s24] =	ssyncset.done $0x0  }
0xa3: {  	[sflag:s24] =	ssyncadd.s32 $0xFFFFF000  }
0xa4: {  	_ =	swait.ge [sflag:s24], $0x1000  }
0xa5: {  	[sflag:s24] =	ssyncset.done $0x0  }
0xa6: {  	[sflag:s24] =	ssyncadd.s32 $0xFFFFF000  }
.Ltmp0:
0xa7: {  	_ =	swait.ge [sflag:s24], $0x1000;
	(pc) =	sbr.rel @p0 .LBB2_2-.Ltmp0, $4  }
0xa8: {  	[sflag:s24] =	ssyncset.done $0x0  }
0xa9: {  	[sflag:s24] =	ssyncadd.s32 $0xFFFFF000  }
0xaa: {  	_ =	swait.ge [sflag:s24], $0x1000  }
0xab: {  	s30 =	smov.u32 s28;
	[sflag:s24] =	ssyncset.done $0x0  }
0xac: {  	s26 =	sshra.s32 s26, $0x2;
	[sflag:s24] =	ssyncadd.s32 $0xFFFFF000  }
0xad: {  	[tilespmem:s15], [sflag:$0x1] =	stream.indirect.gather [hbm4b:s4+s14], $0x20, s26, s14, $0xb8;
	[tilespmem:$0x12000] =	vst v63  }
0xae: {  	s28 =	sadd.s32 $0x80, s26  }
0xaf: {  	[tilespmem:s16], [sflag:$0x1] =	stream.indirect.gather [hbm4b:s4+s14], $0x20, s28, s14, $0xb8;
	[tilespmem:$0x12000] =	vst v63  }
0xb0: {  	s31 =	sadd.s32 $0x100, s26  }
0xb1: {  	[tilespmem:s17], [sflag:$0x1] =	stream.indirect.gather [hbm4b:s4+s14], $0x20, s31, s14, $0xb8;
	[tilespmem:$0x12000] =	vst v63  }
0xb2: {  	s29 =	sadd.s32 $0x180, s26  }
0xb3: {  	[tilespmem:s18], [sflag:$0x1] =	stream.indirect.gather [hbm4b:s4+s14], $0x20, s29, s14, $0xb8;
	[tilespmem:$0x12000] =	vst v63  }
0xb4: {  	s30 =	sadd.s32 $0x200, s26  }
0xb5: {  	[tilespmem:s19], [sflag:$0x1] =	stream.indirect.gather [hbm4b:s4+s14], $0x20, s30, s14, $0xb8;
	[tilespmem:$0x12000] =	vst v63  }
0xb6: {  	s31 =	sadd.s32 $0x280, s26  }
0xb7: {  	[tilespmem:s20], [sflag:$0x1] =	stream.indirect.gather [hbm4b:s4+s14], $0x20, s31, s14, $0xb8;
	[tilespmem:$0x12000] =	vst v63  }
0xb8: {  	s29 =	sadd.s32 $0x300, s26  }
0xb9: {  	[tilespmem:s21], [sflag:$0x1] =	stream.indirect.gather [hbm4b:s4+s14], $0x20, s29, s14, $0xb8;
	[tilespmem:$0x12000] =	vst v63  }
0xba: {  	s30 =	sadd.s32 $0x380, s26  }
0xbb: {  	[tilespmem:s22], [sflag:$0x1] =	stream.indirect.gather [hbm4b:s4+s14], $0x20, s30, s14, $0xb8;
	[tilespmem:$0x12000] =	vst v63  }
0xbc: {  	_ =	swait.ge [sflag:s23], $0x1000  }
0xbd: {  	[sflag:s23] =	ssyncset.done $0x0  }
0xbe: {  	s31 =	sadd.s32 $0x2800, s26;
	[sflag:s23] =	ssyncadd.s32 $0xFFFFF000  }
0xbf: {  	[spmem:s2] =	stream.indirect.scatter.add.f32 [tilespmem:s15], [sflag:$0x2], $0x20, s31, s14, $0xb8;
	[tilespmem:$0x12000] =	vst v63  }
0xc0: {  	_ =	swait.ge [sflag:s23], $0x1000  }
0xc1: {  	[sflag:s23] =	ssyncset.done $0x0  }
0xc2: {  	s29 =	sadd.s32 $0x2880, s26;
	[sflag:s23] =	ssyncadd.s32 $0xFFFFF000  }
0xc3: {  	[spmem:s2] =	stream.indirect.scatter.add.f32 [tilespmem:s16], [sflag:$0x2], $0x20, s29, s14, $0xb8;
	[tilespmem:$0x12000] =	vst v63  }
0xc4: {  	_ =	swait.ge [sflag:s23], $0x1000  }
0xc5: {  	[sflag:s23] =	ssyncset.done $0x0  }
0xc6: {  	s30 =	sadd.s32 $0x2900, s26;
	[sflag:s23] =	ssyncadd.s32 $0xFFFFF000  }
0xc7: {  	[spmem:s2] =	stream.indirect.scatter.add.f32 [tilespmem:s17], [sflag:$0x2], $0x20, s30, s14, $0xb8;
	[tilespmem:$0x12000] =	vst v63  }
0xc8: {  	_ =	swait.ge [sflag:s23], $0x1000  }
0xc9: {  	[sflag:s23] =	ssyncset.done $0x0  }
0xca: {  	s31 =	sadd.s32 $0x2980, s26;
	[sflag:s23] =	ssyncadd.s32 $0xFFFFF000  }
0xcb: {  	[spmem:s2] =	stream.indirect.scatter.add.f32 [tilespmem:s18], [sflag:$0x2], $0x20, s31, s14, $0xb8;
	[tilespmem:$0x12000] =	vst v63  }
0xcc: {  	_ =	swait.ge [sflag:s23], $0x1000  }
0xcd: {  	[sflag:s23] =	ssyncset.done $0x0  }
0xce: {  	s29 =	sadd.s32 $0x2A00, s26;
	[sflag:s23] =	ssyncadd.s32 $0xFFFFF000  }
0xcf: {  	[spmem:s2] =	stream.indirect.scatter.add.f32 [tilespmem:s19], [sflag:$0x2], $0x20, s29, s14, $0xb8;
	[tilespmem:$0x12000] =	vst v63  }
0xd0: {  	_ =	swait.ge [sflag:s23], $0x1000  }
0xd1: {  	[sflag:s23] =	ssyncset.done $0x0  }
0xd2: {  	s30 =	sadd.s32 $0x2A80, s26;
	[sflag:s23] =	ssyncadd.s32 $0xFFFFF000  }
0xd3: {  	[spmem:s2] =	stream.indirect.scatter.add.f32 [tilespmem:s20], [sflag:$0x2], $0x20, s30, s14, $0xb8;
	[tilespmem:$0x12000] =	vst v63  }
0xd4: {  	_ =	swait.ge [sflag:s23], $0x1000  }
0xd5: {  	[sflag:s23] =	ssyncset.done $0x0  }
0xd6: {  	s31 =	sadd.s32 $0x2B00, s26;
	[sflag:s23] =	ssyncadd.s32 $0xFFFFF000  }
0xd7: {  	[spmem:s2] =	stream.indirect.scatter.add.f32 [tilespmem:s21], [sflag:$0x2], $0x20, s31, s14, $0xb8;
	[tilespmem:$0x12000] =	vst v63  }
0xd8: {  	_ =	swait.ge [sflag:s23], $0x1000  }
0xd9: {  	[sflag:s23] =	ssyncset.done $0x0  }
0xda: {  	s26 =	sadd.s32 $0x2B80, s26;
	[sflag:s23] =	ssyncadd.s32 $0xFFFFF000  }
0xdb: {  	[spmem:s2] =	stream.indirect.scatter.add.f32 [tilespmem:s22], [sflag:$0x2], $0x20, s26, s14, $0xb8;
	[tilespmem:$0x12000] =	vst v63  }
0xdc: {  	_ =	swait.ge [sflag:s24], $0x1000  }
0xdd: {  	[sflag:s24] =	ssyncset.done $0x0  }
0xde: {  	[sflag:s24] =	ssyncadd.s32 $0xFFFFF000  }
0xdf: {  	_ =	swait.ge [sflag:s24], $0x1000  }
0xe0: {  	[sflag:s24] =	ssyncset.done $0x0  }
0xe1: {  	[sflag:s24] =	ssyncadd.s32 $0xFFFFF000  }
0xe2: {  	_ =	swait.ge [sflag:s24], $0x1000  }
0xe3: {  	[sflag:s24] =	ssyncset.done $0x0  }
0xe4: {  	[sflag:s24] =	ssyncadd.s32 $0xFFFFF000  }
0xe5: {  	_ =	swait.ge [sflag:s24], $0x1000  }
0xe6: {  	[sflag:s24] =	ssyncset.done $0x0  }
0xe7: {  	[sflag:s24] =	ssyncadd.s32 $0xFFFFF000  }
0xe8: {  	_ =	swait.ge [sflag:s24], $0x1000  }
0xe9: {  	[sflag:s24] =	ssyncset.done $0x0  }
0xea: {  	[sflag:s24] =	ssyncadd.s32 $0xFFFFF000  }
0xeb: {  	_ =	swait.ge [sflag:s24], $0x1000  }
0xec: {  	[sflag:s24] =	ssyncset.done $0x0  }
0xed: {  	[sflag:s24] =	ssyncadd.s32 $0xFFFFF000  }
0xee: {  	_ =	swait.ge [sflag:s24], $0x1000  }
0xef: {  	[sflag:s24] =	ssyncset.done $0x0  }
0xf0: {  	[sflag:s24] =	ssyncadd.s32 $0xFFFFF000  }
0xf1: {  	_ =	swait.ge [sflag:s24], $0x1000  }
0xf2: {  	s25 =	sadd.s32 $0x1, s25;
	[sflag:s24] =	ssyncset.done $0x0  }
0xf3: {  	p0 =	sne.s32 s25, s9;
	[sflag:s24] =	ssyncadd.s32 $0xFFFFF000  }
.Ltmp1:
0xf4: {  	[bflag:$0x0] =	sbarrier.arrive $0xFFFF;
	(pc) =	sbr.rel @p0 .LBB2_1-.Ltmp1, $4  }
0xf5: {  	[hbm:s8], [sflag:s12] =	dma.local [spmem:s13], $0xA00  }
0xf6: {  	_ =	swait.ge [sflag:s10], $0xA00  }
0xf7: {  	[sflag:s10] =	ssyncset.done $0x0  }
0xf8: {  	[sflag:s10] =	ssyncadd.s32 $0xFFFFF600  }
0xf9: {  	_ =	sfence.sel $0x180000  }
0xfa: {  	[bflag:$0x0] =	sbarrier.arrive $0xFFFF  }
0xfb: {  	p0 =	sne.s32 s0, $0x0;
	_ =	strace $0x90000047  }
0xfc: {  	s0 =	sadd.s32 @!p0 $0x100000, s1;
	[bflag:$0x2] =	sbarrier.arrive $0xFFFF  }
0xfd: {  	[sflag:s0] =	ssyncadd.tile.s32 @!p0 $0x1;
	_ =	shalt  }
.Lfunc_end2:
_tile_overlayer_lowered:
.L_overlay_start_2:
0xfe: {  	(tag) =	ssettag $0x2  }
0xff: {  	s0 =	rddreg [dreg:$0x0];
	s2 =	stileid.u32  }
0x100: {  	s1 =	rddreg [dreg:$0x1];
	p0 =	sne.s32 s2, $0x0  }
0x101: {  	s3 =	rddreg [dreg:$0x2];
	[bflag:$0x3] =	sbarrier.arrive $0xFFFF;
	s2 =	simm.s32 @!p0 $0x1C03  }
0x102: {  	[timem:s3], [sflag:s2] =	dma.local @!p0 [hbm:s0], s1  }
0x103: {  	s0 =	simm.s32 @!p0 $0x3  }
0x104: {  	_ =	swait.ge @!p0 [sflag:s0], s1  }
0x105: {  	s1 =	ssub.s32 @!p0 $0x0, s1;
	[sflag:s0] =	ssyncset.done @!p0 $0x0  }
0x106: {  	[sflag:s0] =	ssyncadd.s32 @!p0 s1  }
0x107: {  	[bflag:$0x3] =	sbarrier.arrive $0xFFFF  }
0x108: {  	_ =	shalt  }

</sc_bundles>
